<compile_context>
chip_gen: v7x
topology: tpu7x:2x2x1
jax: 0.10.2.dev20260603
libtpu: 0.0.44.dev20260713+nightly
codegen_flags: <defaults>
</compile_context>

<pallas_src>
import functools

import jax
import jax.numpy as jnp
from jax import lax
from jax.experimental import pallas as pl
from jax.experimental.pallas import tpu as pltpu
from jax.experimental.pallas import tpu_sc as plsc

EMB = 64
L = 16
NW = 32
G = 128
CHUNK = 256
NG = CHUNK // G
NBUF = 2


def _rsqrt16(x):
    i = lax.bitcast_convert_type(x, jnp.int32)
    y = lax.bitcast_convert_type(jnp.int32(0x5F3759DF) - (i >> 1), jnp.float32)
    for _ in range(1):
        y = y * (1.5 - 0.5 * x * y * y)
    return y


@functools.lru_cache(maxsize=None)
def _build(total_rows: int):
    assert total_rows % (NW * CHUNK * NBUF) == 0
    rows_per_w = total_rows // NW
    n_chunks = rows_per_w // CHUNK
    n_pairs = n_chunks // NBUF
    ng_per_w = rows_per_w // G
    mesh = plsc.VectorSubcoreMesh(core_axis_name="c", subcore_axis_name="s")

    @functools.partial(
        pl.kernel,
        out_type=jax.ShapeDtypeStruct((total_rows, 2 * EMB), jnp.float32),
        mesh=mesh,
        scratch_types=[
            pltpu.VMEM((ng_per_w, G), jnp.int32),
            pltpu.VMEM((NBUF, CHUNK, EMB), jnp.float32),
            pltpu.VMEM((NBUF, CHUNK, 2 * EMB), jnp.float32),
            pltpu.VMEM((2, EMB), jnp.float32),
            pltpu.SemaphoreType.DMA,
            pltpu.SemaphoreType.DMA,
            pltpu.SemaphoreType.DMA,
            pltpu.SemaphoreType.DMA,
        ],
        compiler_params=pltpu.CompilerParams(use_tc_tiling_on_sc=False),
    )
    def sc_fn(idx_hbm, table_hbm, gamma_hbm, beta_hbm, out_hbm,
              idx_v, gbuf, obuf, gb_v, gsem0, gsem1, osem0, osem1):
        gsems = (gsem0, gsem1)
        osems = (osem0, osem1)
        wid = lax.axis_index("s") * 2 + lax.axis_index("c")
        base = wid * rows_per_w

        pltpu.sync_copy(
            idx_hbm.at[pl.ds(pl.multiple_of(wid * ng_per_w, ng_per_w),
                             ng_per_w)],
            idx_v)
        pltpu.sync_copy(gamma_hbm, gb_v.at[0])
        pltpu.sync_copy(beta_hbm, gb_v.at[1])
        gv = [gb_v[0, pl.ds(L * k, L)] for k in range(4)]
        bv = [gb_v[1, pl.ds(L * k, L)] for k in range(4)]

        lanes = lax.iota(jnp.int32, L)
        perms = [(lanes ^ m)[:, None] for m in (8, 4, 2, 1)]
        dnums = lax.GatherDimensionNumbers(
            offset_dims=(), collapsed_slice_dims=(0,), start_index_map=(0,))

        def hsum(x):
            for p in perms:
                x = x + lax.gather(
                    x, p, dnums, slice_sizes=(1,),
                    mode=lax.GatherScatterMode.PROMISE_IN_BOUNDS)
            return x

        def fire_gathers(g, b):
            for j in range(NG):
                pltpu.async_copy(table_hbm.at[idx_v.at[g * NG + j]],
                                 gbuf.at[b, pl.ds(j * G, G)], gsems[b])

        def drain_gathers(g, b):
            for j in range(NG):
                pltpu.make_async_copy(table_hbm.at[idx_v.at[g * NG + j]],
                                      gbuf.at[b, pl.ds(j * G, G)],
                                      gsems[b]).wait()

        def out_slice(g):
            return out_hbm.at[
                pl.ds(pl.multiple_of(base + g * CHUNK, CHUNK), CHUNK)]

        def drain_out(g, b):
            pltpu.make_async_copy(obuf.at[b], out_slice(g), osems[b]).wait()

        fire_gathers(0, 0)

        def pair_body(p, carry):
            for b in range(NBUF):
                g = p * NBUF + b
                nb = 1 - b

                @pl.when(g + 1 < n_chunks)
                def _():
                    @pl.when(g >= 1)
                    def _():
                        drain_out(g - 1, nb)
                    fire_gathers(g + 1, nb)

                drain_gathers(g, b)

                @plsc.parallel_loop(0, CHUNK, unroll=4)
                def _(r):
                    v = [gbuf[b, r, pl.ds(L * k, L)] for k in range(4)]
                    s = (v[0] + v[1]) + (v[2] + v[3])
                    sq = (v[0] * v[0] + v[1] * v[1]) \
                        + (v[2] * v[2] + v[3] * v[3])
                    mu = hsum(s) * (1.0 / EMB)
                    em2 = hsum(sq) * (1.0 / EMB)
                    inv = _rsqrt16(em2 - mu * mu + 1e-5)
                    for k in range(4):
                        obuf[b, r, pl.ds(L * k, L)] = \
                            (v[k] - mu) * inv * gv[k] + bv[k]

                pltpu.async_copy(obuf.at[b], out_slice(g), osems[b])
            return carry

        lax.fori_loop(0, n_pairs, pair_body, 0)
        drain_out(n_chunks - 2, 0)
        drain_out(n_chunks - 1, 1)

    return sc_fn


def kernel(idx, table, gamma, beta):
    B, S = idx.shape
    total = B * S
    idx_flat = idx.reshape(total // G, G).astype(jnp.int32)
    out2 = _build(total)(idx_flat, table, gamma, beta)
    return out2[:, :EMB].reshape(B, S, EMB)

# --- scband reference (transcript-rebuilt; emitter-appended) ---
"""Pipeline reference for scband-gene-idemb-4312147165542 (READ-ONLY COPY).

The authoritative reference and input builder live on the scoring server;
editing this copy changes nothing except your own understanding.
"""

import jax, jax.numpy as jnp
import numpy as np

N_TOKEN = 1000000
EMB_DIM = 64

def setup_inputs(seed: int = 0) -> dict:
    key = jax.random.key(seed)
    k1, k2 = jax.random.split(key)
    idx = jax.random.randint(k1, (4096, 200), 0, N_TOKEN, dtype=jnp.int64 if jax.config.jax_enable_x64 else jnp.int32)
    table = jax.random.normal(k2, (N_TOKEN, EMB_DIM), dtype=jnp.float32)
    gamma = jnp.ones((EMB_DIM,), dtype=jnp.float32)
    beta = jnp.zeros((EMB_DIM,), dtype=jnp.float32)
    return {"idx": idx, "table": table, "gamma": gamma, "beta": beta}

def reference(idx, table, gamma, beta):
    # Embedding lookup
    emb = jnp.take(table, idx, axis=0)  # [B, L, D]
    # LayerNorm over last dim (eps matches torch default 1e-5)
    mean = jnp.mean(emb, axis=-1, keepdims=True)
    var = jnp.var(emb, axis=-1, keepdims=True)
    normed = (emb - mean) / jnp.sqrt(var + 1e-5)
    out = normed * gamma + beta
    return out

if __name__ == "__main__":
    import jax
    _d = setup_inputs()
    print(jax.jit(kernel)(*tuple(_d.values())))

</pallas_src>

<mosaic_0001>
#map = affine_map<(d0, d1) -> (0, 0)>
#map1 = affine_map<(d0, d1) -> (0)>
module attributes {stable_mosaic.version = 14 : i64} {
  func.func @sc_fn(%arg0: i32, %arg1: i32, %arg2: memref<6400x128xi32, #tpu.memory_space<hbm>>, %arg3: memref<1000000x64xf32, #tpu.memory_space<hbm>>, %arg4: memref<64xf32, #tpu.memory_space<hbm>>, %arg5: memref<64xf32, #tpu.memory_space<hbm>>, %arg6: memref<819200x128xf32, #tpu.memory_space<hbm>>, %arg7: memref<200x128xi32, #tpu.memory_space<vmem>>, %arg8: memref<2x256x64xf32, #tpu.memory_space<vmem>>, %arg9: memref<2x256x128xf32, #tpu.memory_space<vmem>>, %arg10: memref<2x64xf32, #tpu.memory_space<vmem>>, %arg11: memref<!tpu.dma_semaphore, #tpu.memory_space<semaphore_mem>>, %arg12: memref<!tpu.dma_semaphore, #tpu.memory_space<semaphore_mem>>, %arg13: memref<!tpu.dma_semaphore, #tpu.memory_space<semaphore_mem>>, %arg14: memref<!tpu.dma_semaphore, #tpu.memory_space<semaphore_mem>>) attributes {dimension_semantics = [#tpu.dimension_semantics<core_parallel>, #tpu.dimension_semantics<subcore_parallel>], iteration_bounds = array<i64: 2, 16>, scalar_prefetch = 0 : i64, scratch_operands = 8 : i64, tpu.core_type = #tpu.core_type<sc_vector_subcore>, window_params = [{transform_indices = #map}, {transform_indices = #map}, {transform_indices = #map1}, {transform_indices = #map1}, {transform_indices = #map}]} {
    %mul3A = arith.constant 2 : i32
    %mul3A_0 = arith.muli %arg1, %mul3A : i32
    %add3A = arith.addi %mul3A_0, %arg0 : i32
    %mul3A_1 = arith.constant 25600 : i32
    %mul3A_2 = arith.muli %add3A, %mul3A_1 : i32
    %mul3A_3 = arith.constant 200 : i32
    %mul3A_4 = arith.muli %add3A, %mul3A_3 : i32
    %multiple_of3A = tpu.assume_multiple %mul3A_4, 200 : i32
    "tpu.region"() ({
      %run_scoped3A_118 = tpu.sem_alloc : memref<!tpu.dma_semaphore, #tpu.memory_space<semaphore_mem>>
      %dma_start3A_119 = arith.constant 0 : i32
      %dma_start3A_120 = tpu.memref_slice %arg2[%multiple_of3A, %dma_start3A_119] : memref<6400x128xi32, #tpu.memory_space<hbm>> -> memref<200x128xi32, #tpu.memory_space<hbm>>
      %dma_start3A_121 = arith.constant 0 : i32
      %dma_start3A_122 = tpu.memref_slice %arg2[%multiple_of3A, %dma_start3A_121] : memref<6400x128xi32, #tpu.memory_space<hbm>> -> memref<200x128xi32, #tpu.memory_space<hbm>>
      tpu.enqueue_dma source(%dma_start3A_122 : memref<200x128xi32, #tpu.memory_space<hbm>>) target(%arg7 : memref<200x128xi32, #tpu.memory_space<vmem>>) target_semaphore(%run_scoped3A_118 : memref<!tpu.dma_semaphore, #tpu.memory_space<semaphore_mem>>)
      %dma_wait3A_123 = arith.constant 0 : i32
      %dma_wait3A_124 = tpu.memref_slice %arg2[%multiple_of3A, %dma_wait3A_123] : memref<6400x128xi32, #tpu.memory_space<hbm>> -> memref<200x128xi32, #tpu.memory_space<hbm>>
      %dma_wait3A_125 = arith.constant 0 : i32
      %dma_wait3A_126 = tpu.memref_slice %arg2[%multiple_of3A, %dma_wait3A_125] : memref<6400x128xi32, #tpu.memory_space<hbm>> -> memref<200x128xi32, #tpu.memory_space<hbm>>
      tpu.wait_dma2 semaphore(%run_scoped3A_118 : memref<!tpu.dma_semaphore, #tpu.memory_space<semaphore_mem>>) src(%dma_wait3A_126 : memref<200x128xi32, #tpu.memory_space<hbm>>) dst(%arg7 : memref<200x128xi32, #tpu.memory_space<vmem>>)
      tpu.yield
    }) : () -> ()
    %run_scoped3A = arith.constant 0 : i32
    "tpu.region"() ({
      %run_scoped3A_118 = tpu.sem_alloc : memref<!tpu.dma_semaphore, #tpu.memory_space<semaphore_mem>>
      %dma_start3A_119 = arith.constant 0 : i32
      %dma_start3A_120 = tpu.memref_slice %arg10[%run_scoped3A, %dma_start3A_119] : memref<2x64xf32, #tpu.memory_space<vmem>> -> memref<1x64xf32, #tpu.memory_space<vmem>>
      %dma_start3A_121 = tpu.memref_squeeze %dma_start3A_120 : memref<1x64xf32, #tpu.memory_space<vmem>> -> memref<64xf32, #tpu.memory_space<vmem>>
      %dma_start3A_122 = arith.constant 0 : i32
      %dma_start3A_123 = tpu.memref_slice %arg10[%run_scoped3A, %dma_start3A_122] : memref<2x64xf32, #tpu.memory_space<vmem>> -> memref<1x64xf32, #tpu.memory_space<vmem>>
      %dma_start3A_124 = tpu.memref_squeeze %dma_start3A_123 : memref<1x64xf32, #tpu.memory_space<vmem>> -> memref<64xf32, #tpu.memory_space<vmem>>
      tpu.enqueue_dma source(%arg4 : memref<64xf32, #tpu.memory_space<hbm>>) target(%dma_start3A_124 : memref<64xf32, #tpu.memory_space<vmem>>) target_semaphore(%run_scoped3A_118 : memref<!tpu.dma_semaphore, #tpu.memory_space<semaphore_mem>>)
      %dma_wait3A_125 = arith.constant 0 : i32
      %dma_wait3A_126 = tpu.memref_slice %arg10[%run_scoped3A, %dma_wait3A_125] : memref<2x64xf32, #tpu.memory_space<vmem>> -> memref<1x64xf32, #tpu.memory_space<vmem>>
      %dma_wait3A_127 = tpu.memref_squeeze %dma_wait3A_126 : memref<1x64xf32, #tpu.memory_space<vmem>> -> memref<64xf32, #tpu.memory_space<vmem>>
      %dma_wait3A_128 = arith.constant 0 : i32
      %dma_wait3A_129 = tpu.memref_slice %arg10[%run_scoped3A, %dma_wait3A_128] : memref<2x64xf32, #tpu.memory_space<vmem>> -> memref<1x64xf32, #tpu.memory_space<vmem>>
      %dma_wait3A_130 = tpu.memref_squeeze %dma_wait3A_129 : memref<1x64xf32, #tpu.memory_space<vmem>> -> memref<64xf32, #tpu.memory_space<vmem>>
      tpu.wait_dma2 semaphore(%run_scoped3A_118 : memref<!tpu.dma_semaphore, #tpu.memory_space<semaphore_mem>>) src(%arg4 : memref<64xf32, #tpu.memory_space<hbm>>) dst(%dma_wait3A_130 : memref<64xf32, #tpu.memory_space<vmem>>)
      tpu.yield
    }) : () -> ()
    %run_scoped3A_5 = arith.constant 1 : i32
    "tpu.region"() ({
      %run_scoped3A_118 = tpu.sem_alloc : memref<!tpu.dma_semaphore, #tpu.memory_space<semaphore_mem>>
      %dma_start3A_119 = arith.constant 0 : i32
      %dma_start3A_120 = tpu.memref_slice %arg10[%run_scoped3A_5, %dma_start3A_119] : memref<2x64xf32, #tpu.memory_space<vmem>> -> memref<1x64xf32, #tpu.memory_space<vmem>>
      %dma_start3A_121 = tpu.memref_squeeze %dma_start3A_120 : memref<1x64xf32, #tpu.memory_space<vmem>> -> memref<64xf32, #tpu.memory_space<vmem>>
      %dma_start3A_122 = arith.constant 0 : i32
      %dma_start3A_123 = tpu.memref_slice %arg10[%run_scoped3A_5, %dma_start3A_122] : memref<2x64xf32, #tpu.memory_space<vmem>> -> memref<1x64xf32, #tpu.memory_space<vmem>>
      %dma_start3A_124 = tpu.memref_squeeze %dma_start3A_123 : memref<1x64xf32, #tpu.memory_space<vmem>> -> memref<64xf32, #tpu.memory_space<vmem>>
      tpu.enqueue_dma source(%arg5 : memref<64xf32, #tpu.memory_space<hbm>>) target(%dma_start3A_124 : memref<64xf32, #tpu.memory_space<vmem>>) target_semaphore(%run_scoped3A_118 : memref<!tpu.dma_semaphore, #tpu.memory_space<semaphore_mem>>)
      %dma_wait3A_125 = arith.constant 0 : i32
      %dma_wait3A_126 = tpu.memref_slice %arg10[%run_scoped3A_5, %dma_wait3A_125] : memref<2x64xf32, #tpu.memory_space<vmem>> -> memref<1x64xf32, #tpu.memory_space<vmem>>
      %dma_wait3A_127 = tpu.memref_squeeze %dma_wait3A_126 : memref<1x64xf32, #tpu.memory_space<vmem>> -> memref<64xf32, #tpu.memory_space<vmem>>
      %dma_wait3A_128 = arith.constant 0 : i32
      %dma_wait3A_129 = tpu.memref_slice %arg10[%run_scoped3A_5, %dma_wait3A_128] : memref<2x64xf32, #tpu.memory_space<vmem>> -> memref<1x64xf32, #tpu.memory_space<vmem>>
      %dma_wait3A_130 = tpu.memref_squeeze %dma_wait3A_129 : memref<1x64xf32, #tpu.memory_space<vmem>> -> memref<64xf32, #tpu.memory_space<vmem>>
      tpu.wait_dma2 semaphore(%run_scoped3A_118 : memref<!tpu.dma_semaphore, #tpu.memory_space<semaphore_mem>>) src(%arg5 : memref<64xf32, #tpu.memory_space<hbm>>) dst(%dma_wait3A_130 : memref<64xf32, #tpu.memory_space<vmem>>)
      tpu.yield
    }) : () -> ()
    %get3A = arith.constant 0 : i32
    %get3A_6 = arith.index_cast %get3A : i32 to index
    %get3A_7 = arith.constant 0 : index
    %get3A_8 = tpu.vector_load %arg10[%get3A_6, %get3A_7] {strides = array<i32>} : memref<2x64xf32, #tpu.memory_space<vmem>>, vector<1x16xf32>,
    %get3A_9 = vector.shape_cast %get3A_8 : vector<1x16xf32> to vector<16xf32>
    %get3A_10 = arith.constant 0 : i32
    %get3A_11 = arith.index_cast %get3A_10 : i32 to index
    %get3A_12 = arith.constant 16 : index
    %get3A_13 = tpu.vector_load %arg10[%get3A_11, %get3A_12] {strides = array<i32>} : memref<2x64xf32, #tpu.memory_space<vmem>>, vector<1x16xf32>,
    %get3A_14 = vector.shape_cast %get3A_13 : vector<1x16xf32> to vector<16xf32>
    %get3A_15 = arith.constant 0 : i32
    %get3A_16 = arith.index_cast %get3A_15 : i32 to index
    %get3A_17 = arith.constant 32 : index
    %get3A_18 = tpu.vector_load %arg10[%get3A_16, %get3A_17] {strides = array<i32>} : memref<2x64xf32, #tpu.memory_space<vmem>>, vector<1x16xf32>,
    %get3A_19 = vector.shape_cast %get3A_18 : vector<1x16xf32> to vector<16xf32>
    %get3A_20 = arith.constant 0 : i32
    %get3A_21 = arith.index_cast %get3A_20 : i32 to index
    %get3A_22 = arith.constant 48 : index
    %get3A_23 = tpu.vector_load %arg10[%get3A_21, %get3A_22] {strides = array<i32>} : memref<2x64xf32, #tpu.memory_space<vmem>>, vector<1x16xf32>,
    %get3A_24 = vector.shape_cast %get3A_23 : vector<1x16xf32> to vector<16xf32>
    %get3A_25 = arith.constant 1 : i32
    %get3A_26 = arith.index_cast %get3A_25 : i32 to index
    %get3A_27 = arith.constant 0 : index
    %get3A_28 = tpu.vector_load %arg10[%get3A_26, %get3A_27] {strides = array<i32>} : memref<2x64xf32, #tpu.memory_space<vmem>>, vector<1x16xf32>,
    %get3A_29 = vector.shape_cast %get3A_28 : vector<1x16xf32> to vector<16xf32>
    %get3A_30 = arith.constant 1 : i32
    %get3A_31 = arith.index_cast %get3A_30 : i32 to index
    %get3A_32 = arith.constant 16 : index
    %get3A_33 = tpu.vector_load %arg10[%get3A_31, %get3A_32] {strides = array<i32>} : memref<2x64xf32, #tpu.memory_space<vmem>>, vector<1x16xf32>,
    %get3A_34 = vector.shape_cast %get3A_33 : vector<1x16xf32> to vector<16xf32>
    %get3A_35 = arith.constant 1 : i32
    %get3A_36 = arith.index_cast %get3A_35 : i32 to index
    %get3A_37 = arith.constant 32 : index
    %get3A_38 = tpu.vector_load %arg10[%get3A_36, %get3A_37] {strides = array<i32>} : memref<2x64xf32, #tpu.memory_space<vmem>>, vector<1x16xf32>,
    %get3A_39 = vector.shape_cast %get3A_38 : vector<1x16xf32> to vector<16xf32>
    %get3A_40 = arith.constant 1 : i32
    %get3A_41 = arith.index_cast %get3A_40 : i32 to index
    %get3A_42 = arith.constant 48 : index
    %get3A_43 = tpu.vector_load %arg10[%get3A_41, %get3A_42] {strides = array<i32>} : memref<2x64xf32, #tpu.memory_space<vmem>>, vector<1x16xf32>,
    %get3A_44 = vector.shape_cast %get3A_43 : vector<1x16xf32> to vector<16xf32>
    %iota3A = tpu.iota {dimensions = array<i32: 0>} : vector<16xi32>
    %xor3A = arith.constant 8 : i32
    %xor3A_45 = vector.broadcast %xor3A : i32 to vector<16xi32>
    %xor3A_46 = arith.xori %iota3A, %xor3A_45 : vector<16xi32>
    %broadcast_in_dim3A = vector.shape_cast %xor3A_46 : vector<16xi32> to vector<16x1xi32>
    %xor3A_47 = arith.constant 4 : i32
    %xor3A_48 = vector.broadcast %xor3A_47 : i32 to vector<16xi32>
    %xor3A_49 = arith.xori %iota3A, %xor3A_48 : vector<16xi32>
    %broadcast_in_dim3A_50 = vector.shape_cast %xor3A_49 : vector<16xi32> to vector<16x1xi32>
    %xor3A_51 = arith.constant 2 : i32
    %xor3A_52 = vector.broadcast %xor3A_51 : i32 to vector<16xi32>
    %xor3A_53 = arith.xori %iota3A, %xor3A_52 : vector<16xi32>
    %broadcast_in_dim3A_54 = vector.shape_cast %xor3A_53 : vector<16xi32> to vector<16x1xi32>
    %xor3A_55 = arith.constant 1 : i32
    %xor3A_56 = vector.broadcast %xor3A_55 : i32 to vector<16xi32>
    %xor3A_57 = arith.xori %iota3A, %xor3A_56 : vector<16xi32>
    %broadcast_in_dim3A_58 = vector.shape_cast %xor3A_57 : vector<16xi32> to vector<16x1xi32>
    %dma_start3A = arith.constant 0 : i32
    %dma_start3A_59 = arith.constant 0 : i32
    %dma_start3A_60 = arith.constant 0 : i32
    %dma_start3A_61 = arith.constant 0 : i32
    %dma_start3A_62 = tpu.memref_slice %arg8[%dma_start3A_59, %dma_start3A_60, %dma_start3A_61] : memref<2x256x64xf32, #tpu.memory_space<vmem>> -> memref<1x128x64xf32, #tpu.memory_space<vmem>>
    %dma_start3A_63 = tpu.memref_squeeze %dma_start3A_62 : memref<1x128x64xf32, #tpu.memory_space<vmem>> -> memref<128x64xf32, #tpu.memory_space<vmem>>
    %dma_start3A_64 = arith.constant 0 : i32
    %dma_start3A_65 = tpu.memref_slice %arg7[%dma_start3A, %dma_start3A_64] : memref<200x128xi32, #tpu.memory_space<vmem>> -> memref<1x128xi32, #tpu.memory_space<vmem>>
    %dma_start3A_66 = tpu.memref_squeeze %dma_start3A_65 : memref<1x128xi32, #tpu.memory_space<vmem>> -> memref<128xi32, #tpu.memory_space<vmem>>
    %dma_start3A_67 = arith.constant 0 : i32
    %dma_start3A_68 = arith.constant 0 : i32
    %dma_start3A_69 = tpu.memref_slice %arg3[%dma_start3A_67, %dma_start3A_68] : memref<1000000x64xf32, #tpu.memory_space<hbm>> -> memref<1000000x64xf32, #tpu.memory_space<hbm>>
    tpu.enqueue_indirect_dma source(%dma_start3A_69 : memref<1000000x64xf32, #tpu.memory_space<hbm>>) target(%dma_start3A_63 : memref<128x64xf32, #tpu.memory_space<vmem>>) offsets(%dma_start3A_66 : memref<128xi32, #tpu.memory_space<vmem>>) semaphore(%arg11 : memref<!tpu.dma_semaphore, #tpu.memory_space<semaphore_mem>>)
    %dma_start3A_70 = arith.constant 1 : i32
    %dma_start3A_71 = arith.constant 0 : i32
    %dma_start3A_72 = arith.constant 128 : i32
    %dma_start3A_73 = arith.constant 0 : i32
    %dma_start3A_74 = tpu.memref_slice %arg8[%dma_start3A_71, %dma_start3A_72, %dma_start3A_73] : memref<2x256x64xf32, #tpu.memory_space<vmem>> -> memref<1x128x64xf32, #tpu.memory_space<vmem>>
    %dma_start3A_75 = tpu.memref_squeeze %dma_start3A_74 : memref<1x128x64xf32, #tpu.memory_space<vmem>> -> memref<128x64xf32, #tpu.memory_space<vmem>>
    %dma_start3A_76 = arith.constant 0 : i32
    %dma_start3A_77 = tpu.memref_slice %arg7[%dma_start3A_70, %dma_start3A_76] : memref<200x128xi32, #tpu.memory_space<vmem>> -> memref<1x128xi32, #tpu.memory_space<vmem>>
    %dma_start3A_78 = tpu.memref_squeeze %dma_start3A_77 : memref<1x128xi32, #tpu.memory_space<vmem>> -> memref<128xi32, #tpu.memory_space<vmem>>
    %dma_start3A_79 = arith.constant 0 : i32
    %dma_start3A_80 = arith.constant 0 : i32
    %dma_start3A_81 = tpu.memref_slice %arg3[%dma_start3A_79, %dma_start3A_80] : memref<1000000x64xf32, #tpu.memory_space<hbm>> -> memref<1000000x64xf32, #tpu.memory_space<hbm>>
    tpu.enqueue_indirect_dma source(%dma_start3A_81 : memref<1000000x64xf32, #tpu.memory_space<hbm>>) target(%dma_start3A_75 : memref<128x64xf32, #tpu.memory_space<vmem>>) offsets(%dma_start3A_78 : memref<128xi32, #tpu.memory_space<vmem>>) semaphore(%arg11 : memref<!tpu.dma_semaphore, #tpu.memory_space<semaphore_mem>>)
    %scan3A = arith.constant 0 : i32
    %scan3A_82 = arith.constant 0 : i32
    %scan3A_83 = arith.constant 50 : i32
    %scan3A_84 = arith.addi %scan3A_82, %scan3A_83 : i32
    %scan3A_85 = arith.constant 1 : i32
    scf.for %scan3A_118 = %scan3A_82 to %scan3A_84 step %scan3A_85  : i32 {
      %mul3A_119 = arith.constant 2 : i32
      %mul3A_120 = arith.muli %scan3A_118, %mul3A_119 : i32
      %add3A_121 = arith.constant 0 : i32
      %add3A_122 = arith.addi %mul3A_120, %add3A_121 : i32
      %add3A_123 = arith.constant 1 : i32
      %add3A_124 = arith.addi %add3A_122, %add3A_123 : i32
      %lt3A = arith.constant 100 : i32
      %lt3A_125 = arith.cmpi slt, %add3A_124, %lt3A : i32
      %convert_element_type3A = arith.extui %lt3A_125 : i1 to i32
      %cond3A = arith.constant 0 : i32
      %cond3A_126 = arith.cmpi ne, %convert_element_type3A, %cond3A : i32
      scf.if %cond3A_126 {
        %ge3A = arith.constant 1 : i32
        %ge3A_237 = arith.cmpi sge, %add3A_122, %ge3A : i32
        %convert_element_type3A_238 = arith.extui %ge3A_237 : i1 to i32
        %cond3A_239 = arith.constant 0 : i32
        %cond3A_240 = arith.cmpi ne, %convert_element_type3A_238, %cond3A_239 : i32
        scf.if %cond3A_240 {
          %sub3A = arith.constant 1 : i32
          %sub3A_273 = arith.subi %add3A_122, %sub3A : i32
          %mul3A_274 = arith.constant 256 : i32
          %mul3A_275 = arith.muli %sub3A_273, %mul3A_274 : i32
          %add3A_276 = arith.addi %mul3A_2, %mul3A_275 : i32
          %multiple_of3A_277 = tpu.assume_multiple %add3A_276, 256 : i32
          %dma_wait3A_278 = arith.constant 1 : i32
          %dma_wait3A_279 = arith.constant 0 : i32
          %dma_wait3A_280 = arith.constant 0 : i32
          %dma_wait3A_281 = tpu.memref_slice %arg9[%dma_wait3A_278, %dma_wait3A_279, %dma_wait3A_280] : memref<2x256x128xf32, #tpu.memory_space<vmem>> -> memref<1x256x128xf32, #tpu.memory_space<vmem>>
          %dma_wait3A_282 = tpu.memref_squeeze %dma_wait3A_281 : memref<1x256x128xf32, #tpu.memory_space<vmem>> -> memref<256x128xf32, #tpu.memory_space<vmem>>
          %dma_wait3A_283 = arith.constant 0 : i32
          %dma_wait3A_284 = tpu.memref_slice %arg6[%multiple_of3A_277, %dma_wait3A_283] : memref<819200x128xf32, #tpu.memory_space<hbm>> -> memref<256x128xf32, #tpu.memory_space<hbm>>
          %dma_wait3A_285 = arith.constant 0 : i32
          %dma_wait3A_286 = tpu.memref_slice %arg6[%multiple_of3A_277, %dma_wait3A_285] : memref<819200x128xf32, #tpu.memory_space<hbm>> -> memref<256x128xf32, #tpu.memory_space<hbm>>
          %dma_wait3A_287 = arith.constant 0 : i32
          %dma_wait3A_288 = arith.constant 0 : i32
          %dma_wait3A_289 = tpu.memref_slice %arg9[%dma_wait3A_278, %dma_wait3A_287, %dma_wait3A_288] : memref<2x256x128xf32, #tpu.memory_space<vmem>> -> memref<1x256x128xf32, #tpu.memory_space<vmem>>
          %dma_wait3A_290 = tpu.memref_squeeze %dma_wait3A_289 : memref<1x256x128xf32, #tpu.memory_space<vmem>> -> memref<256x128xf32, #tpu.memory_space<vmem>>
          tpu.wait_dma2 semaphore(%arg14 : memref<!tpu.dma_semaphore, #tpu.memory_space<semaphore_mem>>) src(%dma_wait3A_290 : memref<256x128xf32, #tpu.memory_space<vmem>>) dst(%dma_wait3A_286 : memref<256x128xf32, #tpu.memory_space<hbm>>)
        } else {
        }
        %add3A_241 = arith.constant 1 : i32
        %add3A_242 = arith.addi %add3A_122, %add3A_241 : i32
        %mul3A_243 = arith.constant 2 : i32
        %mul3A_244 = arith.muli %add3A_242, %mul3A_243 : i32
        %add3A_245 = arith.constant 0 : i32
        %add3A_246 = arith.addi %mul3A_244, %add3A_245 : i32
        %dma_start3A_247 = arith.constant 1 : i32
        %dma_start3A_248 = arith.constant 0 : i32
        %dma_start3A_249 = arith.constant 0 : i32
        %dma_start3A_250 = tpu.memref_slice %arg8[%dma_start3A_247, %dma_start3A_248, %dma_start3A_249] : memref<2x256x64xf32, #tpu.memory_space<vmem>> -> memref<1x128x64xf32, #tpu.memory_space<vmem>>
        %dma_start3A_251 = tpu.memref_squeeze %dma_start3A_250 : memref<1x128x64xf32, #tpu.memory_space<vmem>> -> memref<128x64xf32, #tpu.memory_space<vmem>>
        %dma_start3A_252 = arith.constant 0 : i32
        %dma_start3A_253 = tpu.memref_slice %arg7[%add3A_246, %dma_start3A_252] : memref<200x128xi32, #tpu.memory_space<vmem>> -> memref<1x128xi32, #tpu.memory_space<vmem>>
        %dma_start3A_254 = tpu.memref_squeeze %dma_start3A_253 : memref<1x128xi32, #tpu.memory_space<vmem>> -> memref<128xi32, #tpu.memory_space<vmem>>
        %dma_start3A_255 = arith.constant 0 : i32
        %dma_start3A_256 = arith.constant 0 : i32
        %dma_start3A_257 = tpu.memref_slice %arg3[%dma_start3A_255, %dma_start3A_256] : memref<1000000x64xf32, #tpu.memory_space<hbm>> -> memref<1000000x64xf32, #tpu.memory_space<hbm>>
        tpu.enqueue_indirect_dma source(%dma_start3A_257 : memref<1000000x64xf32, #tpu.memory_space<hbm>>) target(%dma_start3A_251 : memref<128x64xf32, #tpu.memory_space<vmem>>) offsets(%dma_start3A_254 : memref<128xi32, #tpu.memory_space<vmem>>) semaphore(%arg12 : memref<!tpu.dma_semaphore, #tpu.memory_space<semaphore_mem>>)
        %mul3A_258 = arith.constant 2 : i32
        %mul3A_259 = arith.muli %add3A_242, %mul3A_258 : i32
        %add3A_260 = arith.constant 1 : i32
        %add3A_261 = arith.addi %mul3A_259, %add3A_260 : i32
        %dma_start3A_262 = arith.constant 1 : i32
        %dma_start3A_263 = arith.constant 128 : i32
        %dma_start3A_264 = arith.constant 0 : i32
        %dma_start3A_265 = tpu.memref_slice %arg8[%dma_start3A_262, %dma_start3A_263, %dma_start3A_264] : memref<2x256x64xf32, #tpu.memory_space<vmem>> -> memref<1x128x64xf32, #tpu.memory_space<vmem>>
        %dma_start3A_266 = tpu.memref_squeeze %dma_start3A_265 : memref<1x128x64xf32, #tpu.memory_space<vmem>> -> memref<128x64xf32, #tpu.memory_space<vmem>>
        %dma_start3A_267 = arith.constant 0 : i32
        %dma_start3A_268 = tpu.memref_slice %arg7[%add3A_261, %dma_start3A_267] : memref<200x128xi32, #tpu.memory_space<vmem>> -> memref<1x128xi32, #tpu.memory_space<vmem>>
        %dma_start3A_269 = tpu.memref_squeeze %dma_start3A_268 : memref<1x128xi32, #tpu.memory_space<vmem>> -> memref<128xi32, #tpu.memory_space<vmem>>
        %dma_start3A_270 = arith.constant 0 : i32
        %dma_start3A_271 = arith.constant 0 : i32
        %dma_start3A_272 = tpu.memref_slice %arg3[%dma_start3A_270, %dma_start3A_271] : memref<1000000x64xf32, #tpu.memory_space<hbm>> -> memref<1000000x64xf32, #tpu.memory_space<hbm>>
        tpu.enqueue_indirect_dma source(%dma_start3A_272 : memref<1000000x64xf32, #tpu.memory_space<hbm>>) target(%dma_start3A_266 : memref<128x64xf32, #tpu.memory_space<vmem>>) offsets(%dma_start3A_269 : memref<128xi32, #tpu.memory_space<vmem>>) semaphore(%arg12 : memref<!tpu.dma_semaphore, #tpu.memory_space<semaphore_mem>>)
      } else {
      }
      %mul3A_127 = arith.constant 2 : i32
      %mul3A_128 = arith.muli %add3A_122, %mul3A_127 : i32
      %add3A_129 = arith.constant 0 : i32
      %add3A_130 = arith.addi %mul3A_128, %add3A_129 : i32
      %dma_wait3A_131 = arith.constant 0 : i32
      %dma_wait3A_132 = arith.constant 0 : i32
      %dma_wait3A_133 = arith.constant 0 : i32
      %dma_wait3A_134 = tpu.memref_slice %arg8[%dma_wait3A_131, %dma_wait3A_132, %dma_wait3A_133] : memref<2x256x64xf32, #tpu.memory_space<vmem>> -> memref<1x128x64xf32, #tpu.memory_space<vmem>>
      %dma_wait3A_135 = tpu.memref_squeeze %dma_wait3A_134 : memref<1x128x64xf32, #tpu.memory_space<vmem>> -> memref<128x64xf32, #tpu.memory_space<vmem>>
      %dma_wait3A_136 = arith.constant 0 : i32
      %dma_wait3A_137 = tpu.memref_slice %arg7[%add3A_130, %dma_wait3A_136] : memref<200x128xi32, #tpu.memory_space<vmem>> -> memref<1x128xi32, #tpu.memory_space<vmem>>
      %dma_wait3A_138 = tpu.memref_squeeze %dma_wait3A_137 : memref<1x128xi32, #tpu.memory_space<vmem>> -> memref<128xi32, #tpu.memory_space<vmem>>
      %dma_wait3A_139 = arith.constant 0 : i32
      %dma_wait3A_140 = arith.constant 0 : i32
      %dma_wait3A_141 = tpu.memref_slice %arg3[%dma_wait3A_139, %dma_wait3A_140] : memref<1000000x64xf32, #tpu.memory_space<hbm>> -> memref<1000000x64xf32, #tpu.memory_space<hbm>>
      tpu.wait_indirect_dma semaphore(%arg11 : memref<!tpu.dma_semaphore, #tpu.memory_space<semaphore_mem>>) src(%dma_wait3A_141 : memref<1000000x64xf32, #tpu.memory_space<hbm>>) dst(%dma_wait3A_135 : memref<128x64xf32, #tpu.memory_space<vmem>>)
      %mul3A_142 = arith.constant 2 : i32
      %mul3A_143 = arith.muli %add3A_122, %mul3A_142 : i32
      %add3A_144 = arith.constant 1 : i32
      %add3A_145 = arith.addi %mul3A_143, %add3A_144 : i32
      %dma_wait3A_146 = arith.constant 0 : i32
      %dma_wait3A_147 = arith.constant 128 : i32
      %dma_wait3A_148 = arith.constant 0 : i32
      %dma_wait3A_149 = tpu.memref_slice %arg8[%dma_wait3A_146, %dma_wait3A_147, %dma_wait3A_148] : memref<2x256x64xf32, #tpu.memory_space<vmem>> -> memref<1x128x64xf32, #tpu.memory_space<vmem>>
      %dma_wait3A_150 = tpu.memref_squeeze %dma_wait3A_149 : memref<1x128x64xf32, #tpu.memory_space<vmem>> -> memref<128x64xf32, #tpu.memory_space<vmem>>
      %dma_wait3A_151 = arith.constant 0 : i32
      %dma_wait3A_152 = tpu.memref_slice %arg7[%add3A_145, %dma_wait3A_151] : memref<200x128xi32, #tpu.memory_space<vmem>> -> memref<1x128xi32, #tpu.memory_space<vmem>>
      %dma_wait3A_153 = tpu.memref_squeeze %dma_wait3A_152 : memref<1x128xi32, #tpu.memory_space<vmem>> -> memref<128xi32, #tpu.memory_space<vmem>>
      %dma_wait3A_154 = arith.constant 0 : i32
      %dma_wait3A_155 = arith.constant 0 : i32
      %dma_wait3A_156 = tpu.memref_slice %arg3[%dma_wait3A_154, %dma_wait3A_155] : memref<1000000x64xf32, #tpu.memory_space<hbm>> -> memref<1000000x64xf32, #tpu.memory_space<hbm>>
      tpu.wait_indirect_dma semaphore(%arg11 : memref<!tpu.dma_semaphore, #tpu.memory_space<semaphore_mem>>) src(%dma_wait3A_156 : memref<1000000x64xf32, #tpu.memory_space<hbm>>) dst(%dma_wait3A_150 : memref<128x64xf32, #tpu.memory_space<vmem>>)
      %parallel_loop3A = arith.constant 0 : i32
      %parallel_loop3A_157 = arith.constant 256 : i32
      %parallel_loop3A_158 = arith.constant 1 : i32
      scf.for %parallel_loop3A_237 = %parallel_loop3A to %parallel_loop3A_157 step %parallel_loop3A_158  : i32 {
        %parallel_loop3A_238 = arith.constant 0 : i32
        %parallel_loop3A_239 = arith.index_cast %parallel_loop3A_238 : i32 to index
        %parallel_loop3A_240 = arith.index_cast %parallel_loop3A_237 : i32 to index
        %parallel_loop3A_241 = arith.constant 0 : index
        %parallel_loop3A_242 = tpu.vector_load %arg8[%parallel_loop3A_239, %parallel_loop3A_240, %parallel_loop3A_241] {strides = array<i32>} : memref<2x256x64xf32, #tpu.memory_space<vmem>>, vector<1x1x16xf32>,
        %parallel_loop3A_243 = vector.shape_cast %parallel_loop3A_242 : vector<1x1x16xf32> to vector<16xf32>
        %parallel_loop3A_244 = arith.constant 0 : i32
        %parallel_loop3A_245 = arith.index_cast %parallel_loop3A_244 : i32 to index
        %parallel_loop3A_246 = arith.index_cast %parallel_loop3A_237 : i32 to index
        %parallel_loop3A_247 = arith.constant 16 : index
        %parallel_loop3A_248 = tpu.vector_load %arg8[%parallel_loop3A_245, %parallel_loop3A_246, %parallel_loop3A_247] {strides = array<i32>} : memref<2x256x64xf32, #tpu.memory_space<vmem>>, vector<1x1x16xf32>,
        %parallel_loop3A_249 = vector.shape_cast %parallel_loop3A_248 : vector<1x1x16xf32> to vector<16xf32>
        %parallel_loop3A_250 = arith.constant 0 : i32
        %parallel_loop3A_251 = arith.index_cast %parallel_loop3A_250 : i32 to index
        %parallel_loop3A_252 = arith.index_cast %parallel_loop3A_237 : i32 to index
        %parallel_loop3A_253 = arith.constant 32 : index
        %parallel_loop3A_254 = tpu.vector_load %arg8[%parallel_loop3A_251, %parallel_loop3A_252, %parallel_loop3A_253] {strides = array<i32>} : memref<2x256x64xf32, #tpu.memory_space<vmem>>, vector<1x1x16xf32>,
        %parallel_loop3A_255 = vector.shape_cast %parallel_loop3A_254 : vector<1x1x16xf32> to vector<16xf32>
        %parallel_loop3A_256 = arith.constant 0 : i32
        %parallel_loop3A_257 = arith.index_cast %parallel_loop3A_256 : i32 to index
        %parallel_loop3A_258 = arith.index_cast %parallel_loop3A_237 : i32 to index
        %parallel_loop3A_259 = arith.constant 48 : index
        %parallel_loop3A_260 = tpu.vector_load %arg8[%parallel_loop3A_257, %parallel_loop3A_258, %parallel_loop3A_259] {strides = array<i32>} : memref<2x256x64xf32, #tpu.memory_space<vmem>>, vector<1x1x16xf32>,
        %parallel_loop3A_261 = vector.shape_cast %parallel_loop3A_260 : vector<1x1x16xf32> to vector<16xf32>
        %parallel_loop3A_262 = arith.addf %parallel_loop3A_243, %parallel_loop3A_249 : vector<16xf32>
        %parallel_loop3A_263 = arith.addf %parallel_loop3A_255, %parallel_loop3A_261 : vector<16xf32>
        %parallel_loop3A_264 = arith.addf %parallel_loop3A_262, %parallel_loop3A_263 : vector<16xf32>
        %parallel_loop3A_265 = arith.mulf %parallel_loop3A_243, %parallel_loop3A_243 : vector<16xf32>
        %parallel_loop3A_266 = arith.mulf %parallel_loop3A_249, %parallel_loop3A_249 : vector<16xf32>
        %parallel_loop3A_267 = arith.addf %parallel_loop3A_265, %parallel_loop3A_266 : vector<16xf32>
        %parallel_loop3A_268 = arith.mulf %parallel_loop3A_255, %parallel_loop3A_255 : vector<16xf32>
        %parallel_loop3A_269 = arith.mulf %parallel_loop3A_261, %parallel_loop3A_261 : vector<16xf32>
        %parallel_loop3A_270 = arith.addf %parallel_loop3A_268, %parallel_loop3A_269 : vector<16xf32>
        %parallel_loop3A_271 = arith.addf %parallel_loop3A_267, %parallel_loop3A_270 : vector<16xf32>
        %parallel_loop3A_272 = vector.shape_cast %broadcast_in_dim3A : vector<16x1xi32> to vector<16xi32>
        %parallel_loop3A_273 = tpu.dynamic_gather %parallel_loop3A_264[%parallel_loop3A_272] in [0] : vector<16xf32>, vector<16xi32> -> vector<16xf32>
        %parallel_loop3A_274 = arith.addf %parallel_loop3A_264, %parallel_loop3A_273 : vector<16xf32>
        %parallel_loop3A_275 = vector.shape_cast %broadcast_in_dim3A_50 : vector<16x1xi32> to vector<16xi32>
        %parallel_loop3A_276 = tpu.dynamic_gather %parallel_loop3A_274[%parallel_loop3A_275] in [0] : vector<16xf32>, vector<16xi32> -> vector<16xf32>
        %parallel_loop3A_277 = arith.addf %parallel_loop3A_274, %parallel_loop3A_276 : vector<16xf32>
        %parallel_loop3A_278 = vector.shape_cast %broadcast_in_dim3A_54 : vector<16x1xi32> to vector<16xi32>
        %parallel_loop3A_279 = tpu.dynamic_gather %parallel_loop3A_277[%parallel_loop3A_278] in [0] : vector<16xf32>, vector<16xi32> -> vector<16xf32>
        %parallel_loop3A_280 = arith.addf %parallel_loop3A_277, %parallel_loop3A_279 : vector<16xf32>
        %parallel_loop3A_281 = vector.shape_cast %broadcast_in_dim3A_58 : vector<16x1xi32> to vector<16xi32>
        %parallel_loop3A_282 = tpu.dynamic_gather %parallel_loop3A_280[%parallel_loop3A_281] in [0] : vector<16xf32>, vector<16xi32> -> vector<16xf32>
        %parallel_loop3A_283 = arith.addf %parallel_loop3A_280, %parallel_loop3A_282 : vector<16xf32>
        %parallel_loop3A_284 = arith.constant 1.562500e-02 : f32
        %parallel_loop3A_285 = vector.broadcast %parallel_loop3A_284 : f32 to vector<16xf32>
        %parallel_loop3A_286 = arith.mulf %parallel_loop3A_283, %parallel_loop3A_285 : vector<16xf32>
        %parallel_loop3A_287 = vector.shape_cast %broadcast_in_dim3A : vector<16x1xi32> to vector<16xi32>
        %parallel_loop3A_288 = tpu.dynamic_gather %parallel_loop3A_271[%parallel_loop3A_287] in [0] : vector<16xf32>, vector<16xi32> -> vector<16xf32>
        %parallel_loop3A_289 = arith.addf %parallel_loop3A_271, %parallel_loop3A_288 : vector<16xf32>
        %parallel_loop3A_290 = vector.shape_cast %broadcast_in_dim3A_50 : vector<16x1xi32> to vector<16xi32>
        %parallel_loop3A_291 = tpu.dynamic_gather %parallel_loop3A_289[%parallel_loop3A_290] in [0] : vector<16xf32>, vector<16xi32> -> vector<16xf32>
        %parallel_loop3A_292 = arith.addf %parallel_loop3A_289, %parallel_loop3A_291 : vector<16xf32>
        %parallel_loop3A_293 = vector.shape_cast %broadcast_in_dim3A_54 : vector<16x1xi32> to vector<16xi32>
        %parallel_loop3A_294 = tpu.dynamic_gather %parallel_loop3A_292[%parallel_loop3A_293] in [0] : vector<16xf32>, vector<16xi32> -> vector<16xf32>
        %parallel_loop3A_295 = arith.addf %parallel_loop3A_292, %parallel_loop3A_294 : vector<16xf32>
        %parallel_loop3A_296 = vector.shape_cast %broadcast_in_dim3A_58 : vector<16x1xi32> to vector<16xi32>
        %parallel_loop3A_297 = tpu.dynamic_gather %parallel_loop3A_295[%parallel_loop3A_296] in [0] : vector<16xf32>, vector<16xi32> -> vector<16xf32>
        %parallel_loop3A_298 = arith.addf %parallel_loop3A_295, %parallel_loop3A_297 : vector<16xf32>
        %parallel_loop3A_299 = arith.constant 1.562500e-02 : f32
        %parallel_loop3A_300 = vector.broadcast %parallel_loop3A_299 : f32 to vector<16xf32>
        %parallel_loop3A_301 = arith.mulf %parallel_loop3A_298, %parallel_loop3A_300 : vector<16xf32>
        %parallel_loop3A_302 = arith.mulf %parallel_loop3A_286, %parallel_loop3A_286 : vector<16xf32>
        %parallel_loop3A_303 = arith.subf %parallel_loop3A_301, %parallel_loop3A_302 : vector<16xf32>
        %parallel_loop3A_304 = arith.constant 9.99999974E-6 : f32
        %parallel_loop3A_305 = vector.broadcast %parallel_loop3A_304 : f32 to vector<16xf32>
        %parallel_loop3A_306 = arith.addf %parallel_loop3A_303, %parallel_loop3A_305 : vector<16xf32>
        %parallel_loop3A_307 = tpu.bitcast %parallel_loop3A_306 : vector<16xf32> -> vector<16xi32>
        %parallel_loop3A_308 = arith.constant 1 : i32
        %parallel_loop3A_309 = vector.broadcast %parallel_loop3A_308 : i32 to vector<16xi32>
        %parallel_loop3A_310 = arith.shrsi %parallel_loop3A_307, %parallel_loop3A_309 : vector<16xi32>
        %parallel_loop3A_311 = arith.constant 1597463007 : i32
        %parallel_loop3A_312 = vector.broadcast %parallel_loop3A_311 : i32 to vector<16xi32>
        %parallel_loop3A_313 = arith.subi %parallel_loop3A_312, %parallel_loop3A_310 : vector<16xi32>
        %parallel_loop3A_314 = tpu.bitcast %parallel_loop3A_313 : vector<16xi32> -> vector<16xf32>
        %parallel_loop3A_315 = arith.constant 5.000000e-01 : f32
        %parallel_loop3A_316 = vector.broadcast %parallel_loop3A_315 : f32 to vector<16xf32>
        %parallel_loop3A_317 = arith.mulf %parallel_loop3A_316, %parallel_loop3A_306 : vector<16xf32>
        %parallel_loop3A_318 = arith.mulf %parallel_loop3A_317, %parallel_loop3A_314 : vector<16xf32>
        %parallel_loop3A_319 = arith.mulf %parallel_loop3A_318, %parallel_loop3A_314 : vector<16xf32>
        %parallel_loop3A_320 = arith.constant 1.500000e+00 : f32
        %parallel_loop3A_321 = vector.broadcast %parallel_loop3A_320 : f32 to vector<16xf32>
        %parallel_loop3A_322 = arith.subf %parallel_loop3A_321, %parallel_loop3A_319 : vector<16xf32>
        %parallel_loop3A_323 = arith.mulf %parallel_loop3A_314, %parallel_loop3A_322 : vector<16xf32>
        %parallel_loop3A_324 = arith.subf %parallel_loop3A_243, %parallel_loop3A_286 : vector<16xf32>
        %parallel_loop3A_325 = arith.mulf %parallel_loop3A_324, %parallel_loop3A_323 : vector<16xf32>
        %parallel_loop3A_326 = arith.mulf %parallel_loop3A_325, %get3A_9 : vector<16xf32>
        %parallel_loop3A_327 = arith.addf %parallel_loop3A_326, %get3A_29 : vector<16xf32>
        %parallel_loop3A_328 = arith.constant 0 : i32
        %parallel_loop3A_329 = arith.index_cast %parallel_loop3A_328 : i32 to index
        %parallel_loop3A_330 = arith.index_cast %parallel_loop3A_237 : i32 to index
        %parallel_loop3A_331 = arith.constant 0 : index
        %parallel_loop3A_332 = tpu.vector_load %arg9[%parallel_loop3A_329, %parallel_loop3A_330, %parallel_loop3A_331] {strides = array<i32>} : memref<2x256x128xf32, #tpu.memory_space<vmem>>, vector<1x1x16xf32>,
        %parallel_loop3A_333 = vector.shape_cast %parallel_loop3A_332 : vector<1x1x16xf32> to vector<16xf32>
        %parallel_loop3A_334 = vector.shape_cast %parallel_loop3A_327 : vector<16xf32> to vector<1x1x16xf32>
        tpu.vector_store %arg9[%parallel_loop3A_329, %parallel_loop3A_330, %parallel_loop3A_331], %parallel_loop3A_334 {strides = array<i32>} : memref<2x256x128xf32, #tpu.memory_space<vmem>>, vector<1x1x16xf32>,
        %parallel_loop3A_335 = arith.subf %parallel_loop3A_249, %parallel_loop3A_286 : vector<16xf32>
        %parallel_loop3A_336 = arith.mulf %parallel_loop3A_335, %parallel_loop3A_323 : vector<16xf32>
        %parallel_loop3A_337 = arith.mulf %parallel_loop3A_336, %get3A_14 : vector<16xf32>
        %parallel_loop3A_338 = arith.addf %parallel_loop3A_337, %get3A_34 : vector<16xf32>
        %parallel_loop3A_339 = arith.constant 0 : i32
        %parallel_loop3A_340 = arith.index_cast %parallel_loop3A_339 : i32 to index
        %parallel_loop3A_341 = arith.index_cast %parallel_loop3A_237 : i32 to index
        %parallel_loop3A_342 = arith.constant 16 : index
        %parallel_loop3A_343 = tpu.vector_load %arg9[%parallel_loop3A_340, %parallel_loop3A_341, %parallel_loop3A_342] {strides = array<i32>} : memref<2x256x128xf32, #tpu.memory_space<vmem>>, vector<1x1x16xf32>,
        %parallel_loop3A_344 = vector.shape_cast %parallel_loop3A_343 : vector<1x1x16xf32> to vector<16xf32>
        %parallel_loop3A_345 = vector.shape_cast %parallel_loop3A_338 : vector<16xf32> to vector<1x1x16xf32>
        tpu.vector_store %arg9[%parallel_loop3A_340, %parallel_loop3A_341, %parallel_loop3A_342], %parallel_loop3A_345 {strides = array<i32>} : memref<2x256x128xf32, #tpu.memory_space<vmem>>, vector<1x1x16xf32>,
        %parallel_loop3A_346 = arith.subf %parallel_loop3A_255, %parallel_loop3A_286 : vector<16xf32>
        %parallel_loop3A_347 = arith.mulf %parallel_loop3A_346, %parallel_loop3A_323 : vector<16xf32>
        %parallel_loop3A_348 = arith.mulf %parallel_loop3A_347, %get3A_19 : vector<16xf32>
        %parallel_loop3A_349 = arith.addf %parallel_loop3A_348, %get3A_39 : vector<16xf32>
        %parallel_loop3A_350 = arith.constant 0 : i32
        %parallel_loop3A_351 = arith.index_cast %parallel_loop3A_350 : i32 to index
        %parallel_loop3A_352 = arith.index_cast %parallel_loop3A_237 : i32 to index
        %parallel_loop3A_353 = arith.constant 32 : index
        %parallel_loop3A_354 = tpu.vector_load %arg9[%parallel_loop3A_351, %parallel_loop3A_352, %parallel_loop3A_353] {strides = array<i32>} : memref<2x256x128xf32, #tpu.memory_space<vmem>>, vector<1x1x16xf32>,
        %parallel_loop3A_355 = vector.shape_cast %parallel_loop3A_354 : vector<1x1x16xf32> to vector<16xf32>
        %parallel_loop3A_356 = vector.shape_cast %parallel_loop3A_349 : vector<16xf32> to vector<1x1x16xf32>
        tpu.vector_store %arg9[%parallel_loop3A_351, %parallel_loop3A_352, %parallel_loop3A_353], %parallel_loop3A_356 {strides = array<i32>} : memref<2x256x128xf32, #tpu.memory_space<vmem>>, vector<1x1x16xf32>,
        %parallel_loop3A_357 = arith.subf %parallel_loop3A_261, %parallel_loop3A_286 : vector<16xf32>
        %parallel_loop3A_358 = arith.mulf %parallel_loop3A_357, %parallel_loop3A_323 : vector<16xf32>
        %parallel_loop3A_359 = arith.mulf %parallel_loop3A_358, %get3A_24 : vector<16xf32>
        %parallel_loop3A_360 = arith.addf %parallel_loop3A_359, %get3A_44 : vector<16xf32>
        %parallel_loop3A_361 = arith.constant 0 : i32
        %parallel_loop3A_362 = arith.index_cast %parallel_loop3A_361 : i32 to index
        %parallel_loop3A_363 = arith.index_cast %parallel_loop3A_237 : i32 to index
        %parallel_loop3A_364 = arith.constant 48 : index
        %parallel_loop3A_365 = tpu.vector_load %arg9[%parallel_loop3A_362, %parallel_loop3A_363, %parallel_loop3A_364] {strides = array<i32>} : memref<2x256x128xf32, #tpu.memory_space<vmem>>, vector<1x1x16xf32>,
        %parallel_loop3A_366 = vector.shape_cast %parallel_loop3A_365 : vector<1x1x16xf32> to vector<16xf32>
        %parallel_loop3A_367 = vector.shape_cast %parallel_loop3A_360 : vector<16xf32> to vector<1x1x16xf32>
        tpu.vector_store %arg9[%parallel_loop3A_362, %parallel_loop3A_363, %parallel_loop3A_364], %parallel_loop3A_367 {strides = array<i32>} : memref<2x256x128xf32, #tpu.memory_space<vmem>>, vector<1x1x16xf32>,
      } {sc.loop_unroll_factor = 4 : i64, sc.parallel_access}
      %mul3A_159 = arith.constant 256 : i32
      %mul3A_160 = arith.muli %add3A_122, %mul3A_159 : i32
      %add3A_161 = arith.addi %mul3A_2, %mul3A_160 : i32
      %multiple_of3A_162 = tpu.assume_multiple %add3A_161, 256 : i32
      %dma_start3A_163 = arith.constant 0 : i32
      %dma_start3A_164 = arith.constant 0 : i32
      %dma_start3A_165 = arith.constant 0 : i32
      %dma_start3A_166 = tpu.memref_slice %arg9[%dma_start3A_163, %dma_start3A_164, %dma_start3A_165] : memref<2x256x128xf32, #tpu.memory_space<vmem>> -> memref<1x256x128xf32, #tpu.memory_space<vmem>>
      %dma_start3A_167 = tpu.memref_squeeze %dma_start3A_166 : memref<1x256x128xf32, #tpu.memory_space<vmem>> -> memref<256x128xf32, #tpu.memory_space<vmem>>
      %dma_start3A_168 = arith.constant 0 : i32
      %dma_start3A_169 = tpu.memref_slice %arg6[%multiple_of3A_162, %dma_start3A_168] : memref<819200x128xf32, #tpu.memory_space<hbm>> -> memref<256x128xf32, #tpu.memory_space<hbm>>
      %dma_start3A_170 = arith.constant 0 : i32
      %dma_start3A_171 = tpu.memref_slice %arg6[%multiple_of3A_162, %dma_start3A_170] : memref<819200x128xf32, #tpu.memory_space<hbm>> -> memref<256x128xf32, #tpu.memory_space<hbm>>
      %dma_start3A_172 = arith.constant 0 : i32
      %dma_start3A_173 = arith.constant 0 : i32
      %dma_start3A_174 = tpu.memref_slice %arg9[%dma_start3A_163, %dma_start3A_172, %dma_start3A_173] : memref<2x256x128xf32, #tpu.memory_space<vmem>> -> memref<1x256x128xf32, #tpu.memory_space<vmem>>
      %dma_start3A_175 = tpu.memref_squeeze %dma_start3A_174 : memref<1x256x128xf32, #tpu.memory_space<vmem>> -> memref<256x128xf32, #tpu.memory_space<vmem>>
      tpu.enqueue_dma source(%dma_start3A_175 : memref<256x128xf32, #tpu.memory_space<vmem>>) target(%dma_start3A_171 : memref<256x128xf32, #tpu.memory_space<hbm>>) target_semaphore(%arg13 : memref<!tpu.dma_semaphore, #tpu.memory_space<semaphore_mem>>)
      %mul3A_176 = arith.constant 2 : i32
      %mul3A_177 = arith.muli %scan3A_118, %mul3A_176 : i32
      %add3A_178 = arith.constant 1 : i32
      %add3A_179 = arith.addi %mul3A_177, %add3A_178 : i32
      %add3A_180 = arith.constant 1 : i32
      %add3A_181 = arith.addi %add3A_179, %add3A_180 : i32
      %lt3A_182 = arith.constant 100 : i32
      %lt3A_183 = arith.cmpi slt, %add3A_181, %lt3A_182 : i32
      %convert_element_type3A_184 = arith.extui %lt3A_183 : i1 to i32
      %cond3A_185 = arith.constant 0 : i32
      %cond3A_186 = arith.cmpi ne, %convert_element_type3A_184, %cond3A_185 : i32
      scf.if %cond3A_186 {
        %ge3A = arith.constant 1 : i32
        %ge3A_237 = arith.cmpi sge, %add3A_179, %ge3A : i32
        %convert_element_type3A_238 = arith.extui %ge3A_237 : i1 to i32
        %cond3A_239 = arith.constant 0 : i32
        %cond3A_240 = arith.cmpi ne, %convert_element_type3A_238, %cond3A_239 : i32
        scf.if %cond3A_240 {
          %sub3A = arith.constant 1 : i32
          %sub3A_273 = arith.subi %add3A_179, %sub3A : i32
          %mul3A_274 = arith.constant 256 : i32
          %mul3A_275 = arith.muli %sub3A_273, %mul3A_274 : i32
          %add3A_276 = arith.addi %mul3A_2, %mul3A_275 : i32
          %multiple_of3A_277 = tpu.assume_multiple %add3A_276, 256 : i32
          %dma_wait3A_278 = arith.constant 0 : i32
          %dma_wait3A_279 = arith.constant 0 : i32
          %dma_wait3A_280 = arith.constant 0 : i32
          %dma_wait3A_281 = tpu.memref_slice %arg9[%dma_wait3A_278, %dma_wait3A_279, %dma_wait3A_280] : memref<2x256x128xf32, #tpu.memory_space<vmem>> -> memref<1x256x128xf32, #tpu.memory_space<vmem>>
          %dma_wait3A_282 = tpu.memref_squeeze %dma_wait3A_281 : memref<1x256x128xf32, #tpu.memory_space<vmem>> -> memref<256x128xf32, #tpu.memory_space<vmem>>
          %dma_wait3A_283 = arith.constant 0 : i32
          %dma_wait3A_284 = tpu.memref_slice %arg6[%multiple_of3A_277, %dma_wait3A_283] : memref<819200x128xf32, #tpu.memory_space<hbm>> -> memref<256x128xf32, #tpu.memory_space<hbm>>
          %dma_wait3A_285 = arith.constant 0 : i32
          %dma_wait3A_286 = tpu.memref_slice %arg6[%multiple_of3A_277, %dma_wait3A_285] : memref<819200x128xf32, #tpu.memory_space<hbm>> -> memref<256x128xf32, #tpu.memory_space<hbm>>
          %dma_wait3A_287 = arith.constant 0 : i32
          %dma_wait3A_288 = arith.constant 0 : i32
          %dma_wait3A_289 = tpu.memref_slice %arg9[%dma_wait3A_278, %dma_wait3A_287, %dma_wait3A_288] : memref<2x256x128xf32, #tpu.memory_space<vmem>> -> memref<1x256x128xf32, #tpu.memory_space<vmem>>
          %dma_wait3A_290 = tpu.memref_squeeze %dma_wait3A_289 : memref<1x256x128xf32, #tpu.memory_space<vmem>> -> memref<256x128xf32, #tpu.memory_space<vmem>>
          tpu.wait_dma2 semaphore(%arg13 : memref<!tpu.dma_semaphore, #tpu.memory_space<semaphore_mem>>) src(%dma_wait3A_290 : memref<256x128xf32, #tpu.memory_space<vmem>>) dst(%dma_wait3A_286 : memref<256x128xf32, #tpu.memory_space<hbm>>)
        } else {
        }
        %add3A_241 = arith.constant 1 : i32
        %add3A_242 = arith.addi %add3A_179, %add3A_241 : i32
        %mul3A_243 = arith.constant 2 : i32
        %mul3A_244 = arith.muli %add3A_242, %mul3A_243 : i32
        %add3A_245 = arith.constant 0 : i32
        %add3A_246 = arith.addi %mul3A_244, %add3A_245 : i32
        %dma_start3A_247 = arith.constant 0 : i32
        %dma_start3A_248 = arith.constant 0 : i32
        %dma_start3A_249 = arith.constant 0 : i32
        %dma_start3A_250 = tpu.memref_slice %arg8[%dma_start3A_247, %dma_start3A_248, %dma_start3A_249] : memref<2x256x64xf32, #tpu.memory_space<vmem>> -> memref<1x128x64xf32, #tpu.memory_space<vmem>>
        %dma_start3A_251 = tpu.memref_squeeze %dma_start3A_250 : memref<1x128x64xf32, #tpu.memory_space<vmem>> -> memref<128x64xf32, #tpu.memory_space<vmem>>
        %dma_start3A_252 = arith.constant 0 : i32
        %dma_start3A_253 = tpu.memref_slice %arg7[%add3A_246, %dma_start3A_252] : memref<200x128xi32, #tpu.memory_space<vmem>> -> memref<1x128xi32, #tpu.memory_space<vmem>>
        %dma_start3A_254 = tpu.memref_squeeze %dma_start3A_253 : memref<1x128xi32, #tpu.memory_space<vmem>> -> memref<128xi32, #tpu.memory_space<vmem>>
        %dma_start3A_255 = arith.constant 0 : i32
        %dma_start3A_256 = arith.constant 0 : i32
        %dma_start3A_257 = tpu.memref_slice %arg3[%dma_start3A_255, %dma_start3A_256] : memref<1000000x64xf32, #tpu.memory_space<hbm>> -> memref<1000000x64xf32, #tpu.memory_space<hbm>>
        tpu.enqueue_indirect_dma source(%dma_start3A_257 : memref<1000000x64xf32, #tpu.memory_space<hbm>>) target(%dma_start3A_251 : memref<128x64xf32, #tpu.memory_space<vmem>>) offsets(%dma_start3A_254 : memref<128xi32, #tpu.memory_space<vmem>>) semaphore(%arg11 : memref<!tpu.dma_semaphore, #tpu.memory_space<semaphore_mem>>)
        %mul3A_258 = arith.constant 2 : i32
        %mul3A_259 = arith.muli %add3A_242, %mul3A_258 : i32
        %add3A_260 = arith.constant 1 : i32
        %add3A_261 = arith.addi %mul3A_259, %add3A_260 : i32
        %dma_start3A_262 = arith.constant 0 : i32
        %dma_start3A_263 = arith.constant 128 : i32
        %dma_start3A_264 = arith.constant 0 : i32
        %dma_start3A_265 = tpu.memref_slice %arg8[%dma_start3A_262, %dma_start3A_263, %dma_start3A_264] : memref<2x256x64xf32, #tpu.memory_space<vmem>> -> memref<1x128x64xf32, #tpu.memory_space<vmem>>
        %dma_start3A_266 = tpu.memref_squeeze %dma_start3A_265 : memref<1x128x64xf32, #tpu.memory_space<vmem>> -> memref<128x64xf32, #tpu.memory_space<vmem>>
        %dma_start3A_267 = arith.constant 0 : i32
        %dma_start3A_268 = tpu.memref_slice %arg7[%add3A_261, %dma_start3A_267] : memref<200x128xi32, #tpu.memory_space<vmem>> -> memref<1x128xi32, #tpu.memory_space<vmem>>
        %dma_start3A_269 = tpu.memref_squeeze %dma_start3A_268 : memref<1x128xi32, #tpu.memory_space<vmem>> -> memref<128xi32, #tpu.memory_space<vmem>>
        %dma_start3A_270 = arith.constant 0 : i32
        %dma_start3A_271 = arith.constant 0 : i32
        %dma_start3A_272 = tpu.memref_slice %arg3[%dma_start3A_270, %dma_start3A_271] : memref<1000000x64xf32, #tpu.memory_space<hbm>> -> memref<1000000x64xf32, #tpu.memory_space<hbm>>
        tpu.enqueue_indirect_dma source(%dma_start3A_272 : memref<1000000x64xf32, #tpu.memory_space<hbm>>) target(%dma_start3A_266 : memref<128x64xf32, #tpu.memory_space<vmem>>) offsets(%dma_start3A_269 : memref<128xi32, #tpu.memory_space<vmem>>) semaphore(%arg11 : memref<!tpu.dma_semaphore, #tpu.memory_space<semaphore_mem>>)
      } else {
      }
      %mul3A_187 = arith.constant 2 : i32
      %mul3A_188 = arith.muli %add3A_179, %mul3A_187 : i32
      %add3A_189 = arith.constant 0 : i32
      %add3A_190 = arith.addi %mul3A_188, %add3A_189 : i32
      %dma_wait3A_191 = arith.constant 1 : i32
      %dma_wait3A_192 = arith.constant 0 : i32
      %dma_wait3A_193 = arith.constant 0 : i32
      %dma_wait3A_194 = tpu.memref_slice %arg8[%dma_wait3A_191, %dma_wait3A_192, %dma_wait3A_193] : memref<2x256x64xf32, #tpu.memory_space<vmem>> -> memref<1x128x64xf32, #tpu.memory_space<vmem>>
      %dma_wait3A_195 = tpu.memref_squeeze %dma_wait3A_194 : memref<1x128x64xf32, #tpu.memory_space<vmem>> -> memref<128x64xf32, #tpu.memory_space<vmem>>
      %dma_wait3A_196 = arith.constant 0 : i32
      %dma_wait3A_197 = tpu.memref_slice %arg7[%add3A_190, %dma_wait3A_196] : memref<200x128xi32, #tpu.memory_space<vmem>> -> memref<1x128xi32, #tpu.memory_space<vmem>>
      %dma_wait3A_198 = tpu.memref_squeeze %dma_wait3A_197 : memref<1x128xi32, #tpu.memory_space<vmem>> -> memref<128xi32, #tpu.memory_space<vmem>>
      %dma_wait3A_199 = arith.constant 0 : i32
      %dma_wait3A_200 = arith.constant 0 : i32
      %dma_wait3A_201 = tpu.memref_slice %arg3[%dma_wait3A_199, %dma_wait3A_200] : memref<1000000x64xf32, #tpu.memory_space<hbm>> -> memref<1000000x64xf32, #tpu.memory_space<hbm>>
      tpu.wait_indirect_dma semaphore(%arg12 : memref<!tpu.dma_semaphore, #tpu.memory_space<semaphore_mem>>) src(%dma_wait3A_201 : memref<1000000x64xf32, #tpu.memory_space<hbm>>) dst(%dma_wait3A_195 : memref<128x64xf32, #tpu.memory_space<vmem>>)
      %mul3A_202 = arith.constant 2 : i32
      %mul3A_203 = arith.muli %add3A_179, %mul3A_202 : i32
      %add3A_204 = arith.constant 1 : i32
      %add3A_205 = arith.addi %mul3A_203, %add3A_204 : i32
      %dma_wait3A_206 = arith.constant 1 : i32
      %dma_wait3A_207 = arith.constant 128 : i32
      %dma_wait3A_208 = arith.constant 0 : i32
      %dma_wait3A_209 = tpu.memref_slice %arg8[%dma_wait3A_206, %dma_wait3A_207, %dma_wait3A_208] : memref<2x256x64xf32, #tpu.memory_space<vmem>> -> memref<1x128x64xf32, #tpu.memory_space<vmem>>
      %dma_wait3A_210 = tpu.memref_squeeze %dma_wait3A_209 : memref<1x128x64xf32, #tpu.memory_space<vmem>> -> memref<128x64xf32, #tpu.memory_space<vmem>>
      %dma_wait3A_211 = arith.constant 0 : i32
      %dma_wait3A_212 = tpu.memref_slice %arg7[%add3A_205, %dma_wait3A_211] : memref<200x128xi32, #tpu.memory_space<vmem>> -> memref<1x128xi32, #tpu.memory_space<vmem>>
      %dma_wait3A_213 = tpu.memref_squeeze %dma_wait3A_212 : memref<1x128xi32, #tpu.memory_space<vmem>> -> memref<128xi32, #tpu.memory_space<vmem>>
      %dma_wait3A_214 = arith.constant 0 : i32
      %dma_wait3A_215 = arith.constant 0 : i32
      %dma_wait3A_216 = tpu.memref_slice %arg3[%dma_wait3A_214, %dma_wait3A_215] : memref<1000000x64xf32, #tpu.memory_space<hbm>> -> memref<1000000x64xf32, #tpu.memory_space<hbm>>
      tpu.wait_indirect_dma semaphore(%arg12 : memref<!tpu.dma_semaphore, #tpu.memory_space<semaphore_mem>>) src(%dma_wait3A_216 : memref<1000000x64xf32, #tpu.memory_space<hbm>>) dst(%dma_wait3A_210 : memref<128x64xf32, #tpu.memory_space<vmem>>)
      %parallel_loop3A_217 = arith.constant 0 : i32
      %parallel_loop3A_218 = arith.constant 256 : i32
      %parallel_loop3A_219 = arith.constant 1 : i32
      scf.for %parallel_loop3A_237 = %parallel_loop3A_217 to %parallel_loop3A_218 step %parallel_loop3A_219  : i32 {
        %parallel_loop3A_238 = arith.constant 1 : i32
        %parallel_loop3A_239 = arith.index_cast %parallel_loop3A_238 : i32 to index
        %parallel_loop3A_240 = arith.index_cast %parallel_loop3A_237 : i32 to index
        %parallel_loop3A_241 = arith.constant 0 : index
        %parallel_loop3A_242 = tpu.vector_load %arg8[%parallel_loop3A_239, %parallel_loop3A_240, %parallel_loop3A_241] {strides = array<i32>} : memref<2x256x64xf32, #tpu.memory_space<vmem>>, vector<1x1x16xf32>,
        %parallel_loop3A_243 = vector.shape_cast %parallel_loop3A_242 : vector<1x1x16xf32> to vector<16xf32>
        %parallel_loop3A_244 = arith.constant 1 : i32
        %parallel_loop3A_245 = arith.index_cast %parallel_loop3A_244 : i32 to index
        %parallel_loop3A_246 = arith.index_cast %parallel_loop3A_237 : i32 to index
        %parallel_loop3A_247 = arith.constant 16 : index
        %parallel_loop3A_248 = tpu.vector_load %arg8[%parallel_loop3A_245, %parallel_loop3A_246, %parallel_loop3A_247] {strides = array<i32>} : memref<2x256x64xf32, #tpu.memory_space<vmem>>, vector<1x1x16xf32>,
        %parallel_loop3A_249 = vector.shape_cast %parallel_loop3A_248 : vector<1x1x16xf32> to vector<16xf32>
        %parallel_loop3A_250 = arith.constant 1 : i32
        %parallel_loop3A_251 = arith.index_cast %parallel_loop3A_250 : i32 to index
        %parallel_loop3A_252 = arith.index_cast %parallel_loop3A_237 : i32 to index
        %parallel_loop3A_253 = arith.constant 32 : index
        %parallel_loop3A_254 = tpu.vector_load %arg8[%parallel_loop3A_251, %parallel_loop3A_252, %parallel_loop3A_253] {strides = array<i32>} : memref<2x256x64xf32, #tpu.memory_space<vmem>>, vector<1x1x16xf32>,
        %parallel_loop3A_255 = vector.shape_cast %parallel_loop3A_254 : vector<1x1x16xf32> to vector<16xf32>
        %parallel_loop3A_256 = arith.constant 1 : i32
        %parallel_loop3A_257 = arith.index_cast %parallel_loop3A_256 : i32 to index
        %parallel_loop3A_258 = arith.index_cast %parallel_loop3A_237 : i32 to index
        %parallel_loop3A_259 = arith.constant 48 : index
        %parallel_loop3A_260 = tpu.vector_load %arg8[%parallel_loop3A_257, %parallel_loop3A_258, %parallel_loop3A_259] {strides = array<i32>} : memref<2x256x64xf32, #tpu.memory_space<vmem>>, vector<1x1x16xf32>,
        %parallel_loop3A_261 = vector.shape_cast %parallel_loop3A_260 : vector<1x1x16xf32> to vector<16xf32>
        %parallel_loop3A_262 = arith.addf %parallel_loop3A_243, %parallel_loop3A_249 : vector<16xf32>
        %parallel_loop3A_263 = arith.addf %parallel_loop3A_255, %parallel_loop3A_261 : vector<16xf32>
        %parallel_loop3A_264 = arith.addf %parallel_loop3A_262, %parallel_loop3A_263 : vector<16xf32>
        %parallel_loop3A_265 = arith.mulf %parallel_loop3A_243, %parallel_loop3A_243 : vector<16xf32>
        %parallel_loop3A_266 = arith.mulf %parallel_loop3A_249, %parallel_loop3A_249 : vector<16xf32>
        %parallel_loop3A_267 = arith.addf %parallel_loop3A_265, %parallel_loop3A_266 : vector<16xf32>
        %parallel_loop3A_268 = arith.mulf %parallel_loop3A_255, %parallel_loop3A_255 : vector<16xf32>
        %parallel_loop3A_269 = arith.mulf %parallel_loop3A_261, %parallel_loop3A_261 : vector<16xf32>
        %parallel_loop3A_270 = arith.addf %parallel_loop3A_268, %parallel_loop3A_269 : vector<16xf32>
        %parallel_loop3A_271 = arith.addf %parallel_loop3A_267, %parallel_loop3A_270 : vector<16xf32>
        %parallel_loop3A_272 = vector.shape_cast %broadcast_in_dim3A : vector<16x1xi32> to vector<16xi32>
        %parallel_loop3A_273 = tpu.dynamic_gather %parallel_loop3A_264[%parallel_loop3A_272] in [0] : vector<16xf32>, vector<16xi32> -> vector<16xf32>
        %parallel_loop3A_274 = arith.addf %parallel_loop3A_264, %parallel_loop3A_273 : vector<16xf32>
        %parallel_loop3A_275 = vector.shape_cast %broadcast_in_dim3A_50 : vector<16x1xi32> to vector<16xi32>
        %parallel_loop3A_276 = tpu.dynamic_gather %parallel_loop3A_274[%parallel_loop3A_275] in [0] : vector<16xf32>, vector<16xi32> -> vector<16xf32>
        %parallel_loop3A_277 = arith.addf %parallel_loop3A_274, %parallel_loop3A_276 : vector<16xf32>
        %parallel_loop3A_278 = vector.shape_cast %broadcast_in_dim3A_54 : vector<16x1xi32> to vector<16xi32>
        %parallel_loop3A_279 = tpu.dynamic_gather %parallel_loop3A_277[%parallel_loop3A_278] in [0] : vector<16xf32>, vector<16xi32> -> vector<16xf32>
        %parallel_loop3A_280 = arith.addf %parallel_loop3A_277, %parallel_loop3A_279 : vector<16xf32>
        %parallel_loop3A_281 = vector.shape_cast %broadcast_in_dim3A_58 : vector<16x1xi32> to vector<16xi32>
        %parallel_loop3A_282 = tpu.dynamic_gather %parallel_loop3A_280[%parallel_loop3A_281] in [0] : vector<16xf32>, vector<16xi32> -> vector<16xf32>
        %parallel_loop3A_283 = arith.addf %parallel_loop3A_280, %parallel_loop3A_282 : vector<16xf32>
        %parallel_loop3A_284 = arith.constant 1.562500e-02 : f32
        %parallel_loop3A_285 = vector.broadcast %parallel_loop3A_284 : f32 to vector<16xf32>
        %parallel_loop3A_286 = arith.mulf %parallel_loop3A_283, %parallel_loop3A_285 : vector<16xf32>
        %parallel_loop3A_287 = vector.shape_cast %broadcast_in_dim3A : vector<16x1xi32> to vector<16xi32>
        %parallel_loop3A_288 = tpu.dynamic_gather %parallel_loop3A_271[%parallel_loop3A_287] in [0] : vector<16xf32>, vector<16xi32> -> vector<16xf32>
        %parallel_loop3A_289 = arith.addf %parallel_loop3A_271, %parallel_loop3A_288 : vector<16xf32>
        %parallel_loop3A_290 = vector.shape_cast %broadcast_in_dim3A_50 : vector<16x1xi32> to vector<16xi32>
        %parallel_loop3A_291 = tpu.dynamic_gather %parallel_loop3A_289[%parallel_loop3A_290] in [0] : vector<16xf32>, vector<16xi32> -> vector<16xf32>
        %parallel_loop3A_292 = arith.addf %parallel_loop3A_289, %parallel_loop3A_291 : vector<16xf32>
        %parallel_loop3A_293 = vector.shape_cast %broadcast_in_dim3A_54 : vector<16x1xi32> to vector<16xi32>
        %parallel_loop3A_294 = tpu.dynamic_gather %parallel_loop3A_292[%parallel_loop3A_293] in [0] : vector<16xf32>, vector<16xi32> -> vector<16xf32>
        %parallel_loop3A_295 = arith.addf %parallel_loop3A_292, %parallel_loop3A_294 : vector<16xf32>
        %parallel_loop3A_296 = vector.shape_cast %broadcast_in_dim3A_58 : vector<16x1xi32> to vector<16xi32>
        %parallel_loop3A_297 = tpu.dynamic_gather %parallel_loop3A_295[%parallel_loop3A_296] in [0] : vector<16xf32>, vector<16xi32> -> vector<16xf32>
        %parallel_loop3A_298 = arith.addf %parallel_loop3A_295, %parallel_loop3A_297 : vector<16xf32>
        %parallel_loop3A_299 = arith.constant 1.562500e-02 : f32
        %parallel_loop3A_300 = vector.broadcast %parallel_loop3A_299 : f32 to vector<16xf32>
        %parallel_loop3A_301 = arith.mulf %parallel_loop3A_298, %parallel_loop3A_300 : vector<16xf32>
        %parallel_loop3A_302 = arith.mulf %parallel_loop3A_286, %parallel_loop3A_286 : vector<16xf32>
        %parallel_loop3A_303 = arith.subf %parallel_loop3A_301, %parallel_loop3A_302 : vector<16xf32>
        %parallel_loop3A_304 = arith.constant 9.99999974E-6 : f32
        %parallel_loop3A_305 = vector.broadcast %parallel_loop3A_304 : f32 to vector<16xf32>
        %parallel_loop3A_306 = arith.addf %parallel_loop3A_303, %parallel_loop3A_305 : vector<16xf32>
        %parallel_loop3A_307 = tpu.bitcast %parallel_loop3A_306 : vector<16xf32> -> vector<16xi32>
        %parallel_loop3A_308 = arith.constant 1 : i32
        %parallel_loop3A_309 = vector.broadcast %parallel_loop3A_308 : i32 to vector<16xi32>
        %parallel_loop3A_310 = arith.shrsi %parallel_loop3A_307, %parallel_loop3A_309 : vector<16xi32>
        %parallel_loop3A_311 = arith.constant 1597463007 : i32
        %parallel_loop3A_312 = vector.broadcast %parallel_loop3A_311 : i32 to vector<16xi32>
        %parallel_loop3A_313 = arith.subi %parallel_loop3A_312, %parallel_loop3A_310 : vector<16xi32>
        %parallel_loop3A_314 = tpu.bitcast %parallel_loop3A_313 : vector<16xi32> -> vector<16xf32>
        %parallel_loop3A_315 = arith.constant 5.000000e-01 : f32
        %parallel_loop3A_316 = vector.broadcast %parallel_loop3A_315 : f32 to vector<16xf32>
        %parallel_loop3A_317 = arith.mulf %parallel_loop3A_316, %parallel_loop3A_306 : vector<16xf32>
        %parallel_loop3A_318 = arith.mulf %parallel_loop3A_317, %parallel_loop3A_314 : vector<16xf32>
        %parallel_loop3A_319 = arith.mulf %parallel_loop3A_318, %parallel_loop3A_314 : vector<16xf32>
        %parallel_loop3A_320 = arith.constant 1.500000e+00 : f32
        %parallel_loop3A_321 = vector.broadcast %parallel_loop3A_320 : f32 to vector<16xf32>
        %parallel_loop3A_322 = arith.subf %parallel_loop3A_321, %parallel_loop3A_319 : vector<16xf32>
        %parallel_loop3A_323 = arith.mulf %parallel_loop3A_314, %parallel_loop3A_322 : vector<16xf32>
        %parallel_loop3A_324 = arith.subf %parallel_loop3A_243, %parallel_loop3A_286 : vector<16xf32>
        %parallel_loop3A_325 = arith.mulf %parallel_loop3A_324, %parallel_loop3A_323 : vector<16xf32>
        %parallel_loop3A_326 = arith.mulf %parallel_loop3A_325, %get3A_9 : vector<16xf32>
        %parallel_loop3A_327 = arith.addf %parallel_loop3A_326, %get3A_29 : vector<16xf32>
        %parallel_loop3A_328 = arith.constant 1 : i32
        %parallel_loop3A_329 = arith.index_cast %parallel_loop3A_328 : i32 to index
        %parallel_loop3A_330 = arith.index_cast %parallel_loop3A_237 : i32 to index
        %parallel_loop3A_331 = arith.constant 0 : index
        %parallel_loop3A_332 = tpu.vector_load %arg9[%parallel_loop3A_329, %parallel_loop3A_330, %parallel_loop3A_331] {strides = array<i32>} : memref<2x256x128xf32, #tpu.memory_space<vmem>>, vector<1x1x16xf32>,
        %parallel_loop3A_333 = vector.shape_cast %parallel_loop3A_332 : vector<1x1x16xf32> to vector<16xf32>
        %parallel_loop3A_334 = vector.shape_cast %parallel_loop3A_327 : vector<16xf32> to vector<1x1x16xf32>
        tpu.vector_store %arg9[%parallel_loop3A_329, %parallel_loop3A_330, %parallel_loop3A_331], %parallel_loop3A_334 {strides = array<i32>} : memref<2x256x128xf32, #tpu.memory_space<vmem>>, vector<1x1x16xf32>,
        %parallel_loop3A_335 = arith.subf %parallel_loop3A_249, %parallel_loop3A_286 : vector<16xf32>
        %parallel_loop3A_336 = arith.mulf %parallel_loop3A_335, %parallel_loop3A_323 : vector<16xf32>
        %parallel_loop3A_337 = arith.mulf %parallel_loop3A_336, %get3A_14 : vector<16xf32>
        %parallel_loop3A_338 = arith.addf %parallel_loop3A_337, %get3A_34 : vector<16xf32>
        %parallel_loop3A_339 = arith.constant 1 : i32
        %parallel_loop3A_340 = arith.index_cast %parallel_loop3A_339 : i32 to index
        %parallel_loop3A_341 = arith.index_cast %parallel_loop3A_237 : i32 to index
        %parallel_loop3A_342 = arith.constant 16 : index
        %parallel_loop3A_343 = tpu.vector_load %arg9[%parallel_loop3A_340, %parallel_loop3A_341, %parallel_loop3A_342] {strides = array<i32>} : memref<2x256x128xf32, #tpu.memory_space<vmem>>, vector<1x1x16xf32>,
        %parallel_loop3A_344 = vector.shape_cast %parallel_loop3A_343 : vector<1x1x16xf32> to vector<16xf32>
        %parallel_loop3A_345 = vector.shape_cast %parallel_loop3A_338 : vector<16xf32> to vector<1x1x16xf32>
        tpu.vector_store %arg9[%parallel_loop3A_340, %parallel_loop3A_341, %parallel_loop3A_342], %parallel_loop3A_345 {strides = array<i32>} : memref<2x256x128xf32, #tpu.memory_space<vmem>>, vector<1x1x16xf32>,
        %parallel_loop3A_346 = arith.subf %parallel_loop3A_255, %parallel_loop3A_286 : vector<16xf32>
        %parallel_loop3A_347 = arith.mulf %parallel_loop3A_346, %parallel_loop3A_323 : vector<16xf32>
        %parallel_loop3A_348 = arith.mulf %parallel_loop3A_347, %get3A_19 : vector<16xf32>
        %parallel_loop3A_349 = arith.addf %parallel_loop3A_348, %get3A_39 : vector<16xf32>
        %parallel_loop3A_350 = arith.constant 1 : i32
        %parallel_loop3A_351 = arith.index_cast %parallel_loop3A_350 : i32 to index
        %parallel_loop3A_352 = arith.index_cast %parallel_loop3A_237 : i32 to index
        %parallel_loop3A_353 = arith.constant 32 : index
        %parallel_loop3A_354 = tpu.vector_load %arg9[%parallel_loop3A_351, %parallel_loop3A_352, %parallel_loop3A_353] {strides = array<i32>} : memref<2x256x128xf32, #tpu.memory_space<vmem>>, vector<1x1x16xf32>,
        %parallel_loop3A_355 = vector.shape_cast %parallel_loop3A_354 : vector<1x1x16xf32> to vector<16xf32>
        %parallel_loop3A_356 = vector.shape_cast %parallel_loop3A_349 : vector<16xf32> to vector<1x1x16xf32>
        tpu.vector_store %arg9[%parallel_loop3A_351, %parallel_loop3A_352, %parallel_loop3A_353], %parallel_loop3A_356 {strides = array<i32>} : memref<2x256x128xf32, #tpu.memory_space<vmem>>, vector<1x1x16xf32>,
        %parallel_loop3A_357 = arith.subf %parallel_loop3A_261, %parallel_loop3A_286 : vector<16xf32>
        %parallel_loop3A_358 = arith.mulf %parallel_loop3A_357, %parallel_loop3A_323 : vector<16xf32>
        %parallel_loop3A_359 = arith.mulf %parallel_loop3A_358, %get3A_24 : vector<16xf32>
        %parallel_loop3A_360 = arith.addf %parallel_loop3A_359, %get3A_44 : vector<16xf32>
        %parallel_loop3A_361 = arith.constant 1 : i32
        %parallel_loop3A_362 = arith.index_cast %parallel_loop3A_361 : i32 to index
        %parallel_loop3A_363 = arith.index_cast %parallel_loop3A_237 : i32 to index
        %parallel_loop3A_364 = arith.constant 48 : index
        %parallel_loop3A_365 = tpu.vector_load %arg9[%parallel_loop3A_362, %parallel_loop3A_363, %parallel_loop3A_364] {strides = array<i32>} : memref<2x256x128xf32, #tpu.memory_space<vmem>>, vector<1x1x16xf32>,
        %parallel_loop3A_366 = vector.shape_cast %parallel_loop3A_365 : vector<1x1x16xf32> to vector<16xf32>
        %parallel_loop3A_367 = vector.shape_cast %parallel_loop3A_360 : vector<16xf32> to vector<1x1x16xf32>
        tpu.vector_store %arg9[%parallel_loop3A_362, %parallel_loop3A_363, %parallel_loop3A_364], %parallel_loop3A_367 {strides = array<i32>} : memref<2x256x128xf32, #tpu.memory_space<vmem>>, vector<1x1x16xf32>,
      } {sc.loop_unroll_factor = 4 : i64, sc.parallel_access}
      %mul3A_220 = arith.constant 256 : i32
      %mul3A_221 = arith.muli %add3A_179, %mul3A_220 : i32
      %add3A_222 = arith.addi %mul3A_2, %mul3A_221 : i32
      %multiple_of3A_223 = tpu.assume_multiple %add3A_222, 256 : i32
      %dma_start3A_224 = arith.constant 1 : i32
      %dma_start3A_225 = arith.constant 0 : i32
      %dma_start3A_226 = arith.constant 0 : i32
      %dma_start3A_227 = tpu.memref_slice %arg9[%dma_start3A_224, %dma_start3A_225, %dma_start3A_226] : memref<2x256x128xf32, #tpu.memory_space<vmem>> -> memref<1x256x128xf32, #tpu.memory_space<vmem>>
      %dma_start3A_228 = tpu.memref_squeeze %dma_start3A_227 : memref<1x256x128xf32, #tpu.memory_space<vmem>> -> memref<256x128xf32, #tpu.memory_space<vmem>>
      %dma_start3A_229 = arith.constant 0 : i32
      %dma_start3A_230 = tpu.memref_slice %arg6[%multiple_of3A_223, %dma_start3A_229] : memref<819200x128xf32, #tpu.memory_space<hbm>> -> memref<256x128xf32, #tpu.memory_space<hbm>>
      %dma_start3A_231 = arith.constant 0 : i32
      %dma_start3A_232 = tpu.memref_slice %arg6[%multiple_of3A_223, %dma_start3A_231] : memref<819200x128xf32, #tpu.memory_space<hbm>> -> memref<256x128xf32, #tpu.memory_space<hbm>>
      %dma_start3A_233 = arith.constant 0 : i32
      %dma_start3A_234 = arith.constant 0 : i32
      %dma_start3A_235 = tpu.memref_slice %arg9[%dma_start3A_224, %dma_start3A_233, %dma_start3A_234] : memref<2x256x128xf32, #tpu.memory_space<vmem>> -> memref<1x256x128xf32, #tpu.memory_space<vmem>>
      %dma_start3A_236 = tpu.memref_squeeze %dma_start3A_235 : memref<1x256x128xf32, #tpu.memory_space<vmem>> -> memref<256x128xf32, #tpu.memory_space<vmem>>
      tpu.enqueue_dma source(%dma_start3A_236 : memref<256x128xf32, #tpu.memory_space<vmem>>) target(%dma_start3A_232 : memref<256x128xf32, #tpu.memory_space<hbm>>) target_semaphore(%arg14 : memref<!tpu.dma_semaphore, #tpu.memory_space<semaphore_mem>>)
    }
    %scan3A_86 = arith.constant 50 : i32
    %add3A_87 = arith.constant 25088 : i32
    %add3A_88 = arith.addi %mul3A_2, %add3A_87 : i32
    %multiple_of3A_89 = tpu.assume_multiple %add3A_88, 256 : i32
    %dma_wait3A = arith.constant 0 : i32
    %dma_wait3A_90 = arith.constant 0 : i32
    %dma_wait3A_91 = arith.constant 0 : i32
    %dma_wait3A_92 = tpu.memref_slice %arg9[%dma_wait3A, %dma_wait3A_90, %dma_wait3A_91] : memref<2x256x128xf32, #tpu.memory_space<vmem>> -> memref<1x256x128xf32, #tpu.memory_space<vmem>>
    %dma_wait3A_93 = tpu.memref_squeeze %dma_wait3A_92 : memref<1x256x128xf32, #tpu.memory_space<vmem>> -> memref<256x128xf32, #tpu.memory_space<vmem>>
    %dma_wait3A_94 = arith.constant 0 : i32
    %dma_wait3A_95 = tpu.memref_slice %arg6[%multiple_of3A_89, %dma_wait3A_94] : memref<819200x128xf32, #tpu.memory_space<hbm>> -> memref<256x128xf32, #tpu.memory_space<hbm>>
    %dma_wait3A_96 = arith.constant 0 : i32
    %dma_wait3A_97 = tpu.memref_slice %arg6[%multiple_of3A_89, %dma_wait3A_96] : memref<819200x128xf32, #tpu.memory_space<hbm>> -> memref<256x128xf32, #tpu.memory_space<hbm>>
    %dma_wait3A_98 = arith.constant 0 : i32
    %dma_wait3A_99 = arith.constant 0 : i32
    %dma_wait3A_100 = tpu.memref_slice %arg9[%dma_wait3A, %dma_wait3A_98, %dma_wait3A_99] : memref<2x256x128xf32, #tpu.memory_space<vmem>> -> memref<1x256x128xf32, #tpu.memory_space<vmem>>
    %dma_wait3A_101 = tpu.memref_squeeze %dma_wait3A_100 : memref<1x256x128xf32, #tpu.memory_space<vmem>> -> memref<256x128xf32, #tpu.memory_space<vmem>>
    tpu.wait_dma2 semaphore(%arg13 : memref<!tpu.dma_semaphore, #tpu.memory_space<semaphore_mem>>) src(%dma_wait3A_101 : memref<256x128xf32, #tpu.memory_space<vmem>>) dst(%dma_wait3A_97 : memref<256x128xf32, #tpu.memory_space<hbm>>)
    %add3A_102 = arith.constant 25344 : i32
    %add3A_103 = arith.addi %mul3A_2, %add3A_102 : i32
    %multiple_of3A_104 = tpu.assume_multiple %add3A_103, 256 : i32
    %dma_wait3A_105 = arith.constant 1 : i32
    %dma_wait3A_106 = arith.constant 0 : i32
    %dma_wait3A_107 = arith.constant 0 : i32
    %dma_wait3A_108 = tpu.memref_slice %arg9[%dma_wait3A_105, %dma_wait3A_106, %dma_wait3A_107] : memref<2x256x128xf32, #tpu.memory_space<vmem>> -> memref<1x256x128xf32, #tpu.memory_space<vmem>>
    %dma_wait3A_109 = tpu.memref_squeeze %dma_wait3A_108 : memref<1x256x128xf32, #tpu.memory_space<vmem>> -> memref<256x128xf32, #tpu.memory_space<vmem>>
    %dma_wait3A_110 = arith.constant 0 : i32
    %dma_wait3A_111 = tpu.memref_slice %arg6[%multiple_of3A_104, %dma_wait3A_110] : memref<819200x128xf32, #tpu.memory_space<hbm>> -> memref<256x128xf32, #tpu.memory_space<hbm>>
    %dma_wait3A_112 = arith.constant 0 : i32
    %dma_wait3A_113 = tpu.memref_slice %arg6[%multiple_of3A_104, %dma_wait3A_112] : memref<819200x128xf32, #tpu.memory_space<hbm>> -> memref<256x128xf32, #tpu.memory_space<hbm>>
    %dma_wait3A_114 = arith.constant 0 : i32
    %dma_wait3A_115 = arith.constant 0 : i32
    %dma_wait3A_116 = tpu.memref_slice %arg9[%dma_wait3A_105, %dma_wait3A_114, %dma_wait3A_115] : memref<2x256x128xf32, #tpu.memory_space<vmem>> -> memref<1x256x128xf32, #tpu.memory_space<vmem>>
    %dma_wait3A_117 = tpu.memref_squeeze %dma_wait3A_116 : memref<1x256x128xf32, #tpu.memory_space<vmem>> -> memref<256x128xf32, #tpu.memory_space<vmem>>
    tpu.wait_dma2 semaphore(%arg14 : memref<!tpu.dma_semaphore, #tpu.memory_space<semaphore_mem>>) src(%dma_wait3A_117 : memref<256x128xf32, #tpu.memory_space<vmem>>) dst(%dma_wait3A_113 : memref<256x128xf32, #tpu.memory_space<hbm>>)
    return
  }
}

</mosaic_0001>

<sc_bundles>
// kernel: kernel.3.cloned.1.call-start
scs
__scs_entry_jumppad:
0x0: {  	(pc) =	sbr.rel $0x88, $3  }
0x1: {  	(tag) =	ssettag $0x0;
	lr =	simm.s32 $0x1  }
0x2: {  	[smem:$0x3F9D] =	sst lr;
	_ =	strace $0xD0000000  }
0x3: {  	_ = 	snop  }
0x4: {  	_ = 	snop  }
0x5: {  	_ = 	snop  }
0x6: {  	_ = 	snop  }
0x7: {  	_ = 	snop  }
__scs_overlays_trampoline_lowered:
0x8: {  	[smem:$0x3FAC] =	sst s0  }
0x9: {  	[smem:$0x3FAD] =	sst s1  }
0xa: {  	[smem:$0x3FAE] =	sst s2  }
0xb: {  	[smem:$0x3FAF] =	sst s3  }
0xc: {  	[smem:$0x3FB0] =	sst s4  }
0xd: {  	[smem:$0x3FB1] =	sst s5  }
0xe: {  	[smem:$0x3FB2] =	sst s6  }
0xf: {  	[smem:$0x3FB3] =	sst s7  }
0x10: {  	[smem:$0x3FB4] =	sst s8  }
0x11: {  	[smem:$0x3FB5] =	sst s9;
	s0 =	simm.s32 @!p0 $0x0  }
0x12: {  	s1 =	sld [smem:$0x3F9B];
	s0 =	simm.s32 @p0 $0x1  }
0x13: {  	[smem:$0x3FB6] =	sst s0;
	s0 =	simm.s32 @!p1 $0x0  }
0x14: {  	s2 =	sld [smem:$0x3F9A];
	s0 =	simm.s32 @p1 $0x1  }
0x15: {  	[smem:$0x3FB7] =	sst s0;
	s0 =	simm.s32 @!p2 $0x0  }
0x16: {  	s3 =	sld [smem:$0x3FDB];
	s0 =	simm.s32 @p2 $0x1  }
0x17: {  	s4 =	simm.s32 $0x1BF5;
	[smem:$0x3FB9] =	sst s0  }
0x18: {  	s0 =	sld [smem:$0x3F9C];
	_ =	swait.ge [sflag:s4], $0x0  }
0x19: {  	s7 =	sld [smem:$0x3F9D]  }
0x1a: {  	s8 =	sadd.s32 $0xFFFFE003, lr  }
0x1b: {  	s9 =	sadd.s32 $0xFFFFFEF7, lr;
	s5 =	simm.s32 $0xFFFFFFFF;
	p2 =	slt.u32 s8, $0xFFFFF086  }
0x1c: {  	p1 =	slt.u32 s9, $0xF7A;
	s5 =	simm.s32 @!p2 $0x0  }
0x1d: {  	s5 =	simm.s32 @p1 $0x1;
	p0 =	seq.s32 s7, s2  }
0x1e: {  	s7 =	smul.u32 @!p0 $0xF7A, s2;
	p2 =	seq.s32 @!p0 s5, $0x0  }
0x1f: {  	s9 =	smul.u32 $0xF7A, s1;
	s8 =	simm.s32 @!p0 $0x1BF5;
	p2 =	por !p2, p0  }
0x20: {  	[sflag:s8] =	ssyncset.s32 @!p0 $0xFFFFF086;
	s6 =	sadd.s32 @!p0 s3, s7;
	s7 =	simm.s32 @!p0 $0x108  }
0x21: {  	s3 =	sadd.s32 s3, s9;
	s6 =	sadd.s32 @!p0 $0x88, s6;
	s7 =	simm.s32 @p2 $0x1082  }
0x22: {  	[simem:s7], [sflag:s8] =	dma.local @!p0 [hbm:s6], $0xF7A  }
0x23: {  	s9 =	sor.u32 $0xD0000000, s2;
	s6 =	simm.s32 $0x108;
	_ =	swait.ge @!p0 [sflag:s8], $0x0  }
0x24: {  	s3 =	sadd.s32 $0x88, s3;
	s6 =	simm.s32 @!p1 $0x1082;
	[sflag:s4] =	ssyncset.s32 $0xFFFFF086  }
0x25: {  	[simem:s6], [sflag:s4] =	dma.local [hbm:s3], $0xF7A  }
0x26: {  	[smem:$0x3F9D] =	sst s1;
	(tag) =	ssettag s2;
	_ =	strace s9  }
0x27: {  	s1 =	sld [smem:$0x3FAD]  }
0x28: {  	s2 =	sld [smem:$0x3FAE]  }
0x29: {  	s4 =	sld [smem:$0x3FB0]  }
0x2a: {  	p0 =	seq.s32 s5, $0x0;
	s5 =	sld [smem:$0x3FB1]  }
0x2b: {  	s6 =	sld [smem:$0x3FB2]  }
0x2c: {  	s7 =	sld [smem:$0x3FB3]  }
0x2d: {  	s3 =	simm.s32 $0x108;
	s8 =	sld [smem:$0x3FB4]  }
0x2e: {  	s3 =	simm.s32 @!p0 $0x1082;
	s9 =	sld [smem:$0x3FB5]  }
0x2f: {  	lr =	sadd.s32 s0, s3;
	s0 =	sld [smem:$0x3FAC]  }
0x30: {  	s3 =	sld [smem:$0x3FAF]  }
0x31: {  	[smem:$0x3FB8] =	sst s10  }
0x32: {  	s10 =	sld [smem:$0x3FB6];
	_ =	sdelay $0x3  }
0x33: {  	p0 =	seq.s32 s10, $0x1;
	s10 =	sld [smem:$0x3FB8];
	_ =	sdelay $0x3  }
0x34: {  	[smem:$0x3FB8] =	sst s10  }
0x35: {  	s10 =	sld [smem:$0x3FB7];
	_ =	sdelay $0x3  }
0x36: {  	p1 =	seq.s32 s10, $0x1;
	s10 =	sld [smem:$0x3FB8];
	_ =	sdelay $0x3  }
0x37: {  	[smem:$0x3FB8] =	sst s10  }
0x38: {  	s10 =	sld [smem:$0x3FB9]  }
0x39: {  	_ = 	snop;
	(pc) =	sbr.ind lr, $3  }
0x3a: {  	_ = 	snop  }
0x3b: {  	_ = 	snop  }
0x3c: {  	p2 =	seq.s32 s10, $0x1;
	s10 =	sld [smem:$0x3FB8]  }
0x3d: {  	_ =	shalt  }
0x3e: {  	_ =	shalt  }
0x3f: {  	_ =	shalt  }
0x40: {  	_ =	shalt  }
0x41: {  	_ =	shalt  }
0x42: {  	_ =	shalt  }
0x43: {  	_ =	shalt  }
0x44: {  	_ =	shalt  }
0x45: {  	_ =	shalt  }
0x46: {  	_ =	shalt  }
0x47: {  	_ =	shalt  }
0x48: {  	_ =	shalt  }
0x49: {  	_ =	shalt  }
0x4a: {  	_ =	shalt  }
0x4b: {  	_ =	shalt  }
0x4c: {  	_ =	shalt  }
0x4d: {  	_ =	shalt  }
0x4e: {  	_ =	shalt  }
0x4f: {  	_ =	shalt  }
0x50: {  	_ =	shalt  }
0x51: {  	_ =	shalt  }
0x52: {  	_ =	shalt  }
0x53: {  	_ =	shalt  }
0x54: {  	_ =	shalt  }
0x55: {  	_ =	shalt  }
0x56: {  	_ =	shalt  }
0x57: {  	_ =	shalt  }
0x58: {  	_ =	shalt  }
0x59: {  	_ =	shalt  }
0x5a: {  	_ =	shalt  }
0x5b: {  	_ =	shalt  }
0x5c: {  	_ =	shalt  }
0x5d: {  	_ =	shalt  }
0x5e: {  	_ =	shalt  }
0x5f: {  	_ =	shalt  }
0x60: {  	_ =	shalt  }
0x61: {  	_ =	shalt  }
0x62: {  	_ =	shalt  }
0x63: {  	_ =	shalt  }
0x64: {  	_ =	shalt  }
0x65: {  	_ =	shalt  }
0x66: {  	_ =	shalt  }
0x67: {  	_ =	shalt  }
0x68: {  	_ =	shalt  }
0x69: {  	_ =	shalt  }
0x6a: {  	_ =	shalt  }
0x6b: {  	_ =	shalt  }
0x6c: {  	_ =	shalt  }
0x6d: {  	_ =	shalt  }
0x6e: {  	_ =	shalt  }
0x6f: {  	_ =	shalt  }
0x70: {  	_ =	shalt  }
0x71: {  	_ =	shalt  }
0x72: {  	_ =	shalt  }
0x73: {  	_ =	shalt  }
0x74: {  	_ =	shalt  }
0x75: {  	_ =	shalt  }
0x76: {  	_ =	shalt  }
0x77: {  	_ =	shalt  }
0x78: {  	_ =	shalt  }
0x79: {  	_ =	shalt  }
0x7a: {  	_ =	shalt  }
0x7b: {  	_ =	shalt  }
0x7c: {  	_ =	shalt  }
0x7d: {  	_ =	shalt  }
0x7e: {  	_ =	shalt  }
0x7f: {  	_ =	shalt  }
0x80: {  	_ =	shalt  }
0x81: {  	_ =	shalt  }
0x82: {  	_ =	shalt  }
0x83: {  	_ =	shalt  }
0x84: {  	_ =	shalt  }
0x85: {  	_ =	shalt  }
0x86: {  	_ =	shalt  }
0x87: {  	_ =	shalt  }
.Lfunc_end0:
.L_simem_size_0:
called_computation.1_lowered:
.L_overlay_start_0:
0x88: {  	s2 =	sld [smem:$0x3FD9]  }
0x89: {  	s3 =	sld [smem:$0x3FFE];
	_ =	sdelay $0x1  }
0x8a: {  	s1 =	srdreg.scid  }
0x8b: {  	s0 =	sand.u32 $0x1, s1  }
0x8c: {  	s17 =	sshll.u32 s0, $0xA;
	s2 =	sadd.s32 s3, s2  }
0x8d: {  	s2 =	sadd.s32 s2, s17  }
0x8e: {  	[smem:$0x3FC4] =	sst s2  }
0x8f: {  	_ = 	snop  }
0x90: {  	s2 =	sld [smem:$0x3FC7]  }
0x91: {  	s18 =	sld [smem:$0x3FC6]  }
0x92: {  	s4 =	sld [smem:$0x3FD0];
	(tm) =	ssettm $0x1  }
0x93: {  	s5 =	sld [smem:$0x3FFB];
	_ =	sdelay $0x3  }
0x94: {  	_ =	strace s5  }
0x95: {  	s5 =	sld [smem:$0x3FFC];
	_ =	sdelay $0x3  }
0x96: {  	_ =	strace s5  }
0x97: {  	s5 =	sld [smem:$0x3FFD];
	_ =	sdelay $0x3  }
0x98: {  	_ =	strace s5  }
0x99: {  	_ =	strace $0x8FFFFFFF  }
0x9a: {  	s19 =	sld [smem:$0x3FDB];
	_ =	sdelay $0x1  }
0x9b: {  	s6 =	simm.s32 $_scs_section_size  }
0x9c: {  	s7 =	simm.s32 $_size__tile_overlayer_lowered;
	s8 =	simm.s32 $_tile_overlayer_lowered  }
0x9d: {  	s22 =	simm.s32 $0x1BFF;
	s21 =	sshll.u32 s8, $0x1;
	s5 =	sadd.s32 s6, s19  }
0x9e: {  	s9 =	simm.s32 $0x0;
	s20 =	sshll.u32 s7, $0x1;
	s7 =	sadd.s32 s21, s5  }
0x9f: {  	[timem:s9], [sflag:s22] =	dma.local [hbm:s7], s20  }
0xa0: {  	_ =	swait.ge [sflag:s22], s20  }
0xa1: {  	s6 =	ssub.s32 $0x0, s20;
	[sflag:s22] =	ssyncset.done $0x0  }
0xa2: {  	[sflag:s22] =	ssyncadd.s32 s6;
	_ =	sdelay $0x1  }
0xa3: {  	s23 =	simm.s32 $0x1B8B  }
0xa4: {  	_ =	swait.ge [sflag:s23], $0x1  }
0xa5: {  	[sflag:s23] =	ssyncset.done $0x0  }
0xa6: {  	s25 =	simm.s32 $0x1B8E;
	s24 =	sld [smem:$0x3FFE];
	[sflag:s23] =	ssyncadd.s32 $0xFFFFFFFF  }
0xa7: {  	s26 =	simm.s32 $execute0_lowered;
	[smem:$0x3FD2] =	sst s25  }
0xa8: {  	s7 =	sshll.u32 s26, $0x1;
	_ =	strace $0x80000046;
	[dreg:$0x1] =	wrdreg $0xFFFFFFFF  }
0xa9: {  	s28 =	simm.s32 $_size_execute0_lowered;
	s5 =	sadd.s32 s5, s7;
	[dreg:$0x0] =	wrdreg $0x0  }
0xaa: {  	s7 =	sshll.u32 s28, $0x1;
	[dreg:$0x2] =	wrdreg s5  }
0xab: {  	[dreg:$0x3] =	wrdreg s7  }
0xac: {  	[dreg:$0x4] =	wrdreg $0xC0  }
0xad: {  	_ =	task [dreg:s9], $0x5FFFF  }
0xae: {  	[dreg:$0x1] =	wrdreg $0xFFFFFFFF  }
0xaf: {  	[dreg:$0x0] =	wrdreg $0x60  }
0xb0: {  	[dreg:$0x2] =	wrdreg s4  }
0xb1: {  	[dreg:$0x3] =	wrdreg s24  }
0xb2: {  	[dreg:$0x4] =	wrdreg s2  }
0xb3: {  	[dreg:$0x5] =	wrdreg s18  }
0xb4: {  	[dreg:$0x6] =	wrdreg $0x9  }
0xb5: {  	_ =	task.clear_ibuf [dreg:s9], $0x7FFFF;
	_ =	strace $0x90000046  }
0xb6: {  	s29 =	simm.s32 $0x9;
	_ =	strace $0x80000048  }
0xb7: {  	_ =	swait.ge [sflag:s29], $0x1  }
0xb8: {  	[sflag:s29] =	ssyncadd.s32 $0xFFFFFFFF  }
0xb9: {  	_ =	strace $0x90000048  }
0xba: {  	_ =	sfence  }
0xbb: {  	s30 =	sld [smem:$0x0];
	_ =	sdelay $0x2  }
0xbc: {  	s31 =	sshll.u32 s1, $0xD;
	s1 =	sshrl.u32 s1, $0x2  }
0xbd: {  	s3 =	sand.u32 $0x4000, s31;
	s1 =	sadd.s32 s1, s30  }
0xbe: {  	s0 =	sor.u32 s3, s0;
	s1 =	sshll.u32 s1, $0x11  }
0xbf: {  	s0 =	sor.u32 s1, s0  }
0xc0: {  	s0 =	sadd.s32 $0x8F2B, s0  }
0xc1: {  	[sflag:s0] =	ssyncadd.remote.s32 $0x1  }
0xc2: {  	_ =	sfence.sel $0xFFFF  }
0xc3: {  	[dreg:$0x0] =	wrdreg $0xFFFFFFFF;
	(pc) =	sbr.abs _section_cstart, $3  }
0xc4: {  	[dreg:$0x1] =	wrdreg $0xFFFFFFFF  }
0xc5: {  	_ =	task.clear_ibuf [dreg:s9], $0x2FFFF;
	_ =	strace $0x9FFFFFFF  }
0xc6: {  	(tm) =	ssettm $0x7FFFFFFF  }
0xc7: {  	_ =	shalt  }
tec
execute0_lowered:
.L_overlay_start_1:
0x0: {  	(tag) =	ssettag $0x1  }
0x1: {  	s7 =	rddreg [dreg:$0x0]  }
0x2: {  	s6 =	rddreg [dreg:$0x1]  }
0x3: {  	s0 =	rddreg [dreg:$0x2]  }
0x4: {  	v0 =	vimm.s32 $0xFEDCBA98;
	s2 =	rddreg [dreg:$0x3];
	v1 =	vimm.s32 $0x76543210;
	v2 =	vimm.s32 $0xBA98FEDC  }
0x5: {  	s3 =	simm.s32 $0x0;
	s4 =	srdreg.scid;
	s1 =	stileid.u32;
	v3 =	vimm.s32 $0x32107654;
	v4 =	vimm.s32 $0xDCFE98BA;
	v5 =	vimm.s32 $0x54761032  }
0x6: {  	v6 =	vimm.s32 $0xEFCDAB89;
	v7 =	vimm.s32 $0x67452301;
	s12 =	simm.s32 $0x1E440;
	s13 =	simm.s32 $0x80;
	s14 =	simm.s32 $0x6400  }
0x7: {  	s15 =	simm.s32 $0x8400;
	s16 =	simm.s32 $0xA400;
	s17 =	simm.s32 $0xC400;
	v0 =	vunpack.c.l.s4.s8 v0;
	v1 =	vunpack.c.l.s4.s8 v1;
	v2 =	vunpack.c.l.s4.s8 v2  }
0x8: {  	s18 =	simm.s32 $0x1;
	s19 =	simm.s32 $0xE400;
	s20 =	simm.s32 $0x2;
	v3 =	vunpack.c.l.s4.s8 v3;
	v4 =	vunpack.c.l.s4.s8 v4;
	v5 =	vunpack.c.l.s4.s8 v5  }
0x9: {  	s21 =	simm.s32 $0x16400;
	s22 =	simm.s32 $0x3;
	s23 =	simm.s32 $0x4;
	v6 =	vunpack.c.l.s4.s8 v6;
	v7 =	vunpack.c.l.s4.s8 v7;
	v0 =	vunpack.c.0.s8.s32 v0  }
0xa: {  	[smem:$0x7FF] =	sst s3;
	s5 =	sand.u32 $0x1, s4;
	s8 =	sshll.u32 s1, $0x1;
	v2 =	vunpack.c.0.s8.s32 v2;
	v3 =	vunpack.c.0.s8.s32 v3;
	v4 =	vunpack.c.0.s8.s32 v4  }
0xb: {  	s24 =	simm.s32 $0x0;
	s4 =	rddreg [dreg:$0x4];
	s8 =	sor.u32 s5, s8;
	v5 =	vunpack.c.0.s8.s32 v5;
	v6 =	vunpack.c.0.s8.s32 v6;
	v7 =	vunpack.c.0.s8.s32 v7  }
0xc: {  	_ =	strace $0x80000047;
	s9 =	ssub.s32 $0x2, s5;
	s5 =	sadd.s32 $0xF42E00, s6;
	v1 =	vunpack.c.0.s8.s32 v1;
	v2 =	vcombine.low v3, v2  }
0xd: {  	s6 =	sadd.s32 $0xA00, s6;
	s10 =	smul.u32 $0xC80, s8;
	s11 =	sshrl.u32 s9, $0x1;
	v3 =	vcombine.low v5, v4;
	v4 =	vcombine.low v7, v6;
	v0 =	vand.u32 $0xF, v0  }
0xe: {  	s8 =	smul.u32 $0x320000, s8;
	s9 =	ssub.s32 s9, s11;
	s11 =	simm.s32 $0x1E400;
	v0 =	vcombine.low v0, v1  }
0xf: {  	s7 =	sadd.s32 s7, s10;
	s9 =	smax.u32 s9, $0x1;
	s10 =	simm.s32 $0x5;
	v1 =	vand.u32 $0xF, v2;
	v2 =	vand.u32 $0xF, v3;
	v3 =	vand.u32 $0xF, v4  }
.LBB2_1:
0x10: {  	[tilespmem:s3], [sflag:$0x5] =	stream.linear.gather [hbm4b:s7+s3], $0x6400, $0x38;
	[tilespmem:$0x1E480] =	vst v63  }
0x11: {  	_ =	swait.ge [sflag:s10], $0x6400  }
0x12: {  	[sflag:s10] =	ssyncset.done $0x0  }
0x13: {  	[sflag:s10] =	ssyncadd.s32 $0xFFFF9C00  }
0x14: {  	[tilespmem:s11], [sflag:$0x5] =	stream.linear.gather [hbm4b:s0+s3], $0x40, $0x38;
	[tilespmem:$0x1E480] =	vst v63  }
0x15: {  	_ =	swait.ge [sflag:s10], $0x40  }
0x16: {  	[sflag:s10] =	ssyncset.done $0x0  }
0x17: {  	[sflag:s10] =	ssyncadd.s32 $0xFFFFFFC0  }
0x18: {  	[tilespmem:s12], [sflag:$0x5] =	stream.linear.gather [hbm4b:s2+s3], $0x40, $0x38;
	[tilespmem:$0x1E480] =	vst v63  }
0x19: {  	_ =	swait.ge [sflag:s10], $0x40  }
0x1a: {  	[sflag:s10] =	ssyncset.done $0x0  }
0x1b: {  	[sflag:s10] =	ssyncadd.s32 $0xFFFFFFC0  }
0x1c: {  	v4 =	vld [tilespmem:$0x1E400]  }
0x1d: {  	v5 =	vld [tilespmem:$0x1E410]  }
0x1e: {  	v6 =	vld [tilespmem:$0x1E420]  }
0x1f: {  	v7 =	vld [tilespmem:$0x1E430]  }
0x20: {  	v8 =	vld [tilespmem:$0x1E440]  }
0x21: {  	v9 =	vld [tilespmem:$0x1E450]  }
0x22: {  	v10 =	vld [tilespmem:$0x1E460]  }
0x23: {  	v11 =	vld [tilespmem:$0x1E470];
	[tilespmem:s14], [sflag:$0x1] =	stream.indirect.gather [hbm4b:s5+s13], $0x40, s3, s13, $0xb8  }
0x24: {  	s25 =	simm.s32 $0x0  }
0x25: {  	[tilespmem:s15], [sflag:$0x1] =	stream.indirect.gather [hbm4b:s5+s13], $0x40, s13, s13, $0xb8;
	[tilespmem:$0x1E480] =	vst v63  }
.LBB2_2:
0x26: {  	p0 =	seq.s32 s25, $0x0  }
0x27: {  	s28 =	simm.s32 @!p0 $0x4  }
0x28: {  	s26 =	sshllo.u32 s25, $0x1;
	_ =	swait.ge @!p0 [sflag:s28], $0x8000  }
0x29: {  	s29 =	sshll.u32 s26, $0x8;
	[sflag:s28] =	ssyncset.done @!p0 $0x0  }
0x2a: {  	[sflag:s28] =	ssyncadd.s32 @!p0 $0xFFFF8000;
	s28 =	sand.u32 $0x3FFFFF00, s29  }
0x2b: {  	[tilespmem:s16], [sflag:$0x2] =	stream.indirect.gather [hbm4b:s5+s13], $0x40, s28, s13, $0xb8;
	[tilespmem:$0x1E480] =	vst v63  }
0x2c: {  	s28 =	sor.u32 $0x80, s28  }
0x2d: {  	[tilespmem:s17], [sflag:$0x2] =	stream.indirect.gather [hbm4b:s5+s13], $0x40, s28, s13, $0xb8;
	[tilespmem:$0x1E480] =	vst v63  }
0x2e: {  	_ =	swait.ge [sflag:s18], $0x2000  }
0x2f: {  	[sflag:s18] =	ssyncset.done $0x0  }
0x30: {  	[sflag:s18] =	ssyncadd.s32 $0xFFFFE000  }
0x31: {  	_ =	swait.ge [sflag:s18], $0x2000  }
0x32: {  	[sflag:s18] =	ssyncset.done $0x0  }
0x33: {  	s28 =	simm.s32 $0x6480;
	[sflag:s18] =	ssyncadd.s32 $0xFFFFE000  }
0x34: {  	v17 =	vld [tilespmem:s28+$0x40]  }
0x35: {  	v13 =	vld [tilespmem:s28+$0x50]  }
0x36: {  	v12 =	vld [tilespmem:s28+$0x60]  }
0x37: {  	v26 =	vld [tilespmem:s28+$0x70]  }
0x38: {  	v25 =	vld [tilespmem:s28+$0xFFFFFF90]  }
0x39: {  	v21 =	vld [tilespmem:s28+$0xFFFFFFA0]  }
0x3a: {  	v22 =	vld [tilespmem:s28+$0xFFFFFFB0]  }
0x3b: {  	v16 =	vld [tilespmem:s28+$0xFFFFFFC0]  }
0x3c: {  	v15 =	vld [tilespmem:s28+$0xFFFFFFD0]  }
0x3d: {  	v14 =	vld [tilespmem:s28+$0xFFFFFFE0]  }
0x3e: {  	v18 =	vld [tilespmem:s28+$0xFFFFFFF0]  }
0x3f: {  	v37 =	vld [tilespmem:s28+$0xFFFFFF80];
	v23 =	vmul.f32 v17, v17  }
0x40: {  	v19 =	vadd.f32 v13, v17;
	v24 =	vmul.f32 v13, v13;
	v27 =	vmul.f32 v12, v12  }
0x41: {  	v20 =	vadd.f32 v26, v12;
	v28 =	vmul.f32 v26, v26;
	v29 =	vmul.f32 v25, v25  }
0x42: {  	v31 =	vmul.f32 v21, v21;
	v32 =	vadd.f32 v22, v21;
	v33 =	vmul.f32 v16, v16  }
0x43: {  	v34 =	vadd.f32 v15, v16;
	v36 =	vmul.f32 v14, v14;
	v38 =	vadd.f32 v18, v14  }
0x44: {  	v55 =	vmul.f32 v18, v18;
	v43 =	vadd.f32 v25, v37;
	v30 =	vadd.f32 v20, v19  }
0x45: {  	v24 =	vadd.f32 v24, v23;
	v27 =	vadd.f32 v28, v27;
	v28 =	vmul.f32 v22, v22  }
0x46: {  	v44 =	vmul.f32 v37, v37;
	v19 =	vld [tilespmem:s28+$0x0];
	v34 =	vadd.f32 v38, v34;
	v32 =	vadd.f32 v32, v43  }
0x47: {  	v23 =	vld [tilespmem:s28+$0x10];
	v35 =	vperm.xlane v30, v0;
	v28 =	vadd.f32 v28, v31;
	v31 =	vmul.f32 v15, v15  }
0x48: {  	v20 =	vld [tilespmem:s28+$0x20];
	v29 =	vadd.f32 v29, v44;
	v27 =	vadd.f32 v27, v24;
	v60 =	vperm.xlane v34, v0  }
0x49: {  	v24 =	vld [tilespmem:s28+$0x30];
	v62 =	vperm.xlane v32, v0;
	v30 =	vadd.f32 v30, v35;
	v31 =	vadd.f32 v31, v33  }
0x4a: {  	v33 =	vadd.f32 v55, v36;
	v28 =	vadd.f32 v28, v29  }
0x4b: {  	v54 =	vperm.xlane v27, v0;
	v44 =	vadd.f32 v32, v62;
	v34 =	vadd.f32 v34, v60  }
0x4c: {  	v39 =	vmul.f32 v19, v19;
	v40 =	vadd.f32 v23, v19;
	v56 =	vmul.f32 v23, v23  }
0x4d: {  	v57 =	vmul.f32 v20, v20;
	v41 =	vperm.xlane v30, v1;
	v27 =	vadd.f32 v54, v27  }
0x4e: {  	v31 =	vadd.f32 v33, v31;
	v48 =	vperm.xlane v34, v1;
	v42 =	vadd.f32 v24, v20  }
0x4f: {  	v45 =	vmul.f32 v24, v24;
	v35 =	vadd.f32 v56, v39;
	v30 =	vadd.f32 v30, v41  }
0x50: {  	v58 =	vperm.xlane v27, v1;
	v46 =	vperm.xlane v31, v0;
	v34 =	vadd.f32 v34, v48  }
0x51: {  	v40 =	vadd.f32 v42, v40;
	v38 =	vadd.f32 v45, v57;
	v45 =	vperm.xlane v28, v0  }
0x52: {  	v59 =	vperm.xlane v30, v2;
	v27 =	vadd.f32 v58, v27;
	v31 =	vadd.f32 v46, v31  }
0x53: {  	v53 =	vperm.xlane v34, v2;
	v63 =	vadd.f32 v38, v35;
	v43 =	vperm.xlane v40, v0  }
0x54: {  	v28 =	vadd.f32 v45, v28;
	v30 =	vadd.f32 v30, v59;
	v61 =	vperm.xlane v27, v2  }
0x55: {  	v50 =	vperm.xlane v31, v1;
	v33 =	vadd.f32 v34, v53;
	v35 =	vadd.f32 v40, v43  }
0x56: {  	v49 =	vperm.xlane v28, v1;
	v29 =	vperm.xlane v30, v3;
	v27 =	vadd.f32 v61, v27  }
0x57: {  	v31 =	vadd.f32 v50, v31;
	v61 =	vperm.xlane v33, v3;
	v40 =	vperm.xlane v35, v1  }
0x58: {  	v28 =	vadd.f32 v49, v28;
	v29 =	vadd.f32 v30, v29;
	v30 =	vperm.xlane v27, v3  }
0x59: {  	v58 =	vperm.xlane v31, v2;
	v33 =	vadd.f32 v33, v61;
	v35 =	vadd.f32 v35, v40  }
0x5a: {  	v57 =	vperm.xlane v28, v2;
	v32 =	vmul.f32 $1.562500000e-02, v29;
	v27 =	vadd.f32 v30, v27  }
0x5b: {  	v29 =	vperm.xlane v44, v1;
	v30 =	vperm.xlane v63, v0;
	v31 =	vadd.f32 v58, v31  }
0x5c: {  	v28 =	vadd.f32 v57, v28;
	v27 =	vmul.f32 $1.562500000e-02, v27;
	v47 =	vmul.f32 v32, v32  }
0x5d: {  	v33 =	vmul.f32 $1.562500000e-02, v33;
	v30 =	vadd.f32 v30, v63;
	v29 =	vadd.f32 v44, v29  }
0x5e: {  	v54 =	vperm.xlane v35, v2;
	v26 =	vsub.f32 v26, v32;
	v27 =	vsub.f32 v27, v47  }
0x5f: {  	v13 =	vsub.f32 v13, v32;
	v51 =	vperm.xlane v29, v2;
	v52 =	vperm.xlane v30, v1  }
0x60: {  	v44 =	vperm.xlane v31, v3;
	v35 =	vadd.f32 v35, v54;
	v27 =	vadd.f32 $9.999999740e-06, v27  }
0x61: {  	v62 =	vperm.xlane v28, v3;
	v30 =	vadd.f32 v52, v30;
	v29 =	vadd.f32 v29, v51  }
0x62: {  	v31 =	vadd.f32 v44, v31;
	v55 =	vshra.s32 v27, $0x1;
	v27 =	vmul.f32 $5.000000000e-01, v27  }
0x63: {  	v59 =	vperm.xlane v30, v2;
	v60 =	vperm.xlane v29, v3;
	v56 =	vsub.s32 $0x5F3759DF, v55  }
0x64: {  	v63 =	vperm.xlane v35, v3;
	v28 =	vadd.f32 v62, v28;
	v27 =	vmul.f32 v56, v27  }
0x65: {  	v48 =	vmul.f32 v33, v33;
	v30 =	vadd.f32 v59, v30;
	v29 =	vadd.f32 v29, v60  }
0x66: {  	v31 =	vmul.f32 $1.562500000e-02, v31;
	v45 =	vadd.f32 v35, v63;
	v27 =	vmul.f32 v56, v27  }
0x67: {  	v12 =	vsub.f32 v12, v32;
	v29 =	vmul.f32 $1.562500000e-02, v29;
	v46 =	vperm.xlane v30, v3  }
0x68: {  	v28 =	vmul.f32 $1.562500000e-02, v28;
	v31 =	vsub.f32 v31, v48;
	v34 =	vmul.f32 $1.562500000e-02, v45  }
0x69: {  	v30 =	vadd.f32 v46, v30;
	v47 =	vmul.f32 v29, v29;
	v27 =	vsub.f32 $1.500000000e+00, v27  }
0x6a: {  	v49 =	vmul.f32 v34, v34;
	v25 =	vsub.f32 v25, v29;
	v21 =	vsub.f32 v21, v29  }
0x6b: {  	v22 =	vsub.f32 v22, v29;
	v30 =	vmul.f32 $1.562500000e-02, v30;
	v28 =	vsub.f32 v28, v47  }
0x6c: {  	v50 =	vmul.f32 v56, v27;
	v27 =	vadd.f32 $9.999999740e-06, v31;
	v31 =	vsub.f32 v37, v29  }
0x6d: {  	v29 =	vsub.f32 v16, v33;
	v30 =	vsub.f32 v30, v49  }
0x6e: {  	v28 =	vadd.f32 $9.999999740e-06, v28;
	v52 =	vshra.s32 v27, $0x1;
	v27 =	vmul.f32 $5.000000000e-01, v27  }
0x6f: {  	v39 =	vmul.f32 v50, v26;
	v36 =	vsub.s32 $0x5F3759DF, v52;
	v30 =	vadd.f32 $9.999999740e-06, v30  }
0x70: {  	v51 =	vshra.s32 v28, $0x1;
	v28 =	vmul.f32 $5.000000000e-01, v28;
	v27 =	vmul.f32 v36, v27  }
0x71: {  	v35 =	vsub.s32 $0x5F3759DF, v51;
	v53 =	vshra.s32 v30, $0x1;
	v30 =	vmul.f32 $5.000000000e-01, v30  }
0x72: {  	v28 =	vmul.f32 v35, v28;
	v16 =	vmul.f32 v36, v27;
	v37 =	vsub.s32 $0x5F3759DF, v53  }
0x73: {  	v13 =	vmul.f32 v50, v13;
	v30 =	vmul.f32 v37, v30  }
0x74: {  	v12 =	vmul.f32 v50, v12;
	v28 =	vmul.f32 v35, v28;
	v16 =	vsub.f32 $1.500000000e+00, v16  }
0x75: {  	v39 =	vmul.f32 v39, v7;
	v27 =	vmul.f32 v37, v30  }
0x76: {  	v30 =	vsub.f32 v15, v33;
	v15 =	vsub.f32 $1.500000000e+00, v28;
	v54 =	vmul.f32 v36, v16  }
0x77: {  	v18 =	vsub.f32 v18, v33;
	v13 =	vmul.f32 v13, v5;
	v12 =	vmul.f32 v12, v6  }
0x78: {  	s28 =	simm.s32 $0x6580;
	v26 =	vsub.f32 $1.500000000e+00, v27;
	v28 =	vmul.f32 v35, v15;
	v44 =	vmul.f32 v54, v29  }
0x79: {  	v19 =	vsub.f32 v19, v34;
	v16 =	vld [tilespmem:s28+$0x60];
	v45 =	vmul.f32 v54, v30;
	v35 =	vmul.f32 v54, v18  }
0x7a: {  	v27 =	vsub.f32 v14, v33;
	v26 =	vmul.f32 v37, v26;
	v40 =	vmul.f32 v28, v31  }
0x7b: {  	v55 =	vsub.f32 v23, v34;
	v41 =	vmul.f32 v28, v25;
	v42 =	vmul.f32 v28, v21  }
0x7c: {  	v20 =	vsub.f32 v20, v34;
	v43 =	vmul.f32 v28, v22;
	v36 =	vmul.f32 v54, v27  }
0x7d: {  	v14 =	vld [tilespmem:s28+$0x40];
	v21 =	vsub.f32 v24, v34;
	v44 =	vmul.f32 v44, v4;
	v45 =	vmul.f32 v45, v5  }
0x7e: {  	v15 =	vld [tilespmem:s28+$0x50];
	v22 =	vsub.f32 v17, v32;
	v56 =	vmul.f32 v16, v16;
	v23 =	vmul.f32 v26, v19  }
0x7f: {  	v33 =	vld [tilespmem:s28+$0x70];
	v30 =	vmul.f32 v26, v55;
	v29 =	vmul.f32 v26, v20  }
0x80: {  	v52 =	vld [tilespmem:s28+$0xFFFFFF80];
	v27 =	vmul.f32 v26, v21;
	v32 =	vmul.f32 v50, v22  }
0x81: {  	v18 =	vld [tilespmem:s28+$0xFFFFFFD0];
	v40 =	vmul.f32 v40, v4;
	v41 =	vmul.f32 v41, v5  }
0x82: {  	v39 =	vadd.f32 v39, v11;
	v31 =	vld [tilespmem:s28+$0xFFFFFF90];
	v42 =	vmul.f32 v42, v6;
	v43 =	vmul.f32 v43, v7  }
0x83: {  	v28 =	vld [tilespmem:s28+$0xFFFFFFA0];
	v36 =	vmul.f32 v36, v6;
	v44 =	vadd.f32 v44, v8;
	v45 =	vadd.f32 v45, v9  }
0x84: {  	v17 =	vld [tilespmem:s28+$0xFFFFFFC0];
	v19 =	vadd.f32 v15, v14;
	v20 =	vadd.f32 v33, v16;
	v24 =	vmul.f32 v14, v14  }
0x85: {  	v26 =	vld [tilespmem:s28+$0xFFFFFFB0];
	v25 =	vmul.f32 v15, v15;
	v40 =	vadd.f32 v40, v8;
	v41 =	vadd.f32 v41, v9  }
0x86: {  	v57 =	vmul.f32 v33, v33;
	v42 =	vadd.f32 v42, v10;
	v43 =	vadd.f32 v43, v11  }
0x87: {  	v21 =	vld [tilespmem:s28+$0xFFFFFFE0];
	v51 =	vmul.f32 v18, v18;
	v36 =	vadd.f32 v36, v10;
	v46 =	vadd.f32 v20, v19  }
0x88: {  	v22 =	vld [tilespmem:s28+$0x0];
	v20 =	vadd.f32 v25, v24;
	v25 =	vadd.f32 v57, v56;
	v34 =	vmul.f32 v31, v31  }
0x89: {  	v19 =	vld [tilespmem:s28+$0xFFFFFFF0];
	v58 =	vmul.f32 v28, v28;
	v49 =	vmul.f32 v17, v17;
	v50 =	vadd.f32 v18, v17  }
0x8a: {  	v24 =	vld [tilespmem:s28+$0x10];
	v63 =	vadd.f32 v31, v52;
	v57 =	vmul.f32 v52, v52;
	v59 =	vmul.f32 v26, v26  }
0x8b: {  	v47 =	vadd.f32 v25, v20;
	v25 =	vperm.xlane v46, v0;
	v48 =	vadd.f32 v26, v28  }
0x8c: {  	v38 =	vmul.f32 v21, v21;
	v49 =	vadd.f32 v51, v49;
	v34 =	vadd.f32 v34, v57  }
0x8d: {  	v20 =	vld [tilespmem:s28+$0x20];
	v55 =	vmul.f32 v22, v22;
	v46 =	vadd.f32 v46, v25;
	v37 =	vadd.f32 v59, v58  }
0x8e: {  	v53 =	vperm.xlane v47, v0;
	v25 =	vld [tilespmem:s28+$0x30];
	v48 =	vadd.f32 v48, v63;
	v54 =	vadd.f32 v19, v21  }
0x8f: {  	v61 =	vmul.f32 v19, v19;
	v56 =	vadd.f32 v24, v22;
	v60 =	vperm.xlane v46, v1  }
0x90: {  	v47 =	vadd.f32 v53, v47;
	v53 =	vmul.f32 v24, v24;
	v37 =	vadd.f32 v37, v34  }
0x91: {  	v50 =	vadd.f32 v54, v50;
	v38 =	vadd.f32 v61, v38;
	v54 =	vmul.f32 v23, v4  }
0x92: {  	v46 =	vadd.f32 v46, v60;
	v62 =	vperm.xlane v47, v1;
	v53 =	vadd.f32 v53, v55  }
0x93: {  	v55 =	vmul.f32 v27, v7;
	v60 =	vadd.f32 v25, v20;
	v63 =	vmul.f32 v25, v25  }
0x94: {  	v47 =	vadd.f32 v62, v47;
	v61 =	vperm.xlane v46, v2;
	v62 =	vmul.f32 v20, v20  }
0x95: {  	v38 =	vadd.f32 v38, v49;
	v51 =	vadd.f32 v60, v56;
	v60 =	vperm.xlane v48, v0  }
0x96: {  	v46 =	vadd.f32 v46, v61;
	v58 =	vperm.xlane v47, v2;
	v59 =	vadd.f32 v63, v62  }
0x97: {  	v62 =	vperm.xlane v50, v0;
	v63 =	vperm.xlane v51, v0;
	v48 =	vadd.f32 v48, v60  }
0x98: {  	v60 =	vperm.xlane v38, v0;
	v47 =	vadd.f32 v58, v47;
	v61 =	vperm.xlane v46, v3  }
0x99: {  	v53 =	vadd.f32 v59, v53;
	v49 =	vadd.f32 v50, v62;
	v59 =	vperm.xlane v37, v0  }
0x9a: {  	v38 =	vadd.f32 v60, v38;
	v57 =	vadd.f32 v46, v61;
	v58 =	vperm.xlane v47, v3  }
0x9b: {  	v51 =	vadd.f32 v51, v63;
	v61 =	vperm.xlane v48, v1;
	v62 =	vperm.xlane v53, v0  }
0x9c: {  	v37 =	vadd.f32 v59, v37;
	v60 =	vperm.xlane v38, v1;
	v34 =	vmul.f32 $1.562500000e-02, v57  }
0x9d: {  	v46 =	vadd.f32 v58, v47;
	v50 =	vadd.f32 v62, v53;
	v57 =	vperm.xlane v49, v1  }
0x9e: {  	v47 =	vadd.f32 v48, v61;
	v58 =	vperm.xlane v51, v1;
	v59 =	vperm.xlane v37, v1  }
0x9f: {  	v38 =	vadd.f32 v60, v38;
	v46 =	vmul.f32 $1.562500000e-02, v46;
	v49 =	vadd.f32 v49, v57  }
0xa0: {  	v63 =	vmul.f32 v34, v34;
	v48 =	vadd.f32 v51, v58;
	v37 =	vadd.f32 v59, v37  }
0xa1: {  	v61 =	vperm.xlane v47, v2;
	v62 =	vperm.xlane v50, v1;
	v33 =	vsub.f32 v33, v34  }
0xa2: {  	v58 =	vperm.xlane v38, v2;
	v46 =	vsub.f32 v46, v63;
	v63 =	vperm.xlane v49, v2  }
0xa3: {  	v47 =	vadd.f32 v47, v61;
	v50 =	vadd.f32 v62, v50;
	v56 =	vperm.xlane v48, v2  }
0xa4: {  	v57 =	vperm.xlane v37, v2;
	v38 =	vadd.f32 v58, v38;
	v49 =	vadd.f32 v49, v63  }
0xa5: {  	v53 =	vmul.f32 v30, v5;
	v46 =	vadd.f32 $9.999999740e-06, v46;
	v48 =	vadd.f32 v48, v56  }
0xa6: {  	v37 =	vadd.f32 v57, v37;
	v59 =	vperm.xlane v50, v2;
	v61 =	vperm.xlane v47, v3  }
0xa7: {  	v58 =	vperm.xlane v38, v3;
	v60 =	vshra.s32 v46, $0x1;
	v46 =	vmul.f32 $5.000000000e-01, v46  }
0xa8: {  	v50 =	vadd.f32 v59, v50;
	v47 =	vadd.f32 v47, v61;
	v62 =	vperm.xlane v49, v3  }
0xa9: {  	v63 =	vperm.xlane v48, v3;
	v57 =	vperm.xlane v37, v3;
	v51 =	vsub.s32 $0x5F3759DF, v60  }
0xaa: {  	v38 =	vadd.f32 v58, v38;
	v46 =	vmul.f32 v51, v46;
	v49 =	vadd.f32 v49, v62  }
0xab: {  	v47 =	vmul.f32 $1.562500000e-02, v47;
	v37 =	vadd.f32 v57, v37;
	v59 =	vperm.xlane v50, v3  }
0xac: {  	v14 =	vsub.f32 v14, v34;
	v38 =	vmul.f32 $1.562500000e-02, v38;
	v46 =	vmul.f32 v51, v46  }
0xad: {  	v56 =	vadd.f32 v48, v63;
	v49 =	vmul.f32 $1.562500000e-02, v49;
	v37 =	vmul.f32 $1.562500000e-02, v37  }
0xae: {  	v48 =	vadd.f32 v59, v50;
	v60 =	vmul.f32 v47, v47;
	v23 =	vsub.f32 $1.500000000e+00, v46  }
0xaf: {  	v31 =	vsub.f32 v31, v47;
	v28 =	vsub.f32 v28, v47;
	v46 =	vmul.f32 $1.562500000e-02, v56  }
0xb0: {  	v26 =	vsub.f32 v26, v47;
	v61 =	vmul.f32 v49, v49;
	v23 =	vmul.f32 v51, v23  }
0xb1: {  	v48 =	vmul.f32 $1.562500000e-02, v48;
	v37 =	vsub.f32 v37, v60;
	v62 =	vmul.f32 v46, v46  }
0xb2: {  	v56 =	vmul.f32 v32, v4;
	v51 =	vsub.f32 v52, v47;
	v33 =	vmul.f32 v23, v33  }
0xb3: {  	v52 =	vmul.f32 v29, v6;
	v27 =	vadd.f32 $9.999999740e-06, v37;
	v29 =	vsub.f32 v48, v62  }
0xb4: {  	v17 =	vsub.f32 v17, v49;
	v63 =	vsub.f32 v38, v61;
	v33 =	vmul.f32 v33, v7  }
0xb5: {  	v57 =	vshra.s32 v27, $0x1;
	v27 =	vmul.f32 $5.000000000e-01, v27;
	v29 =	vadd.f32 $9.999999740e-06, v29  }
0xb6: {  	v32 =	vsub.s32 $0x5F3759DF, v57;
	v30 =	vadd.f32 v33, v11;
	v33 =	vadd.f32 $9.999999740e-06, v63  }
0xb7: {  	v27 =	vmul.f32 v32, v27;
	v59 =	vshra.s32 v29, $0x1;
	v29 =	vmul.f32 $5.000000000e-01, v29  }
0xb8: {  	v50 =	vsub.s32 $0x5F3759DF, v59;
	v58 =	vshra.s32 v33, $0x1;
	v33 =	vmul.f32 $5.000000000e-01, v33  }
0xb9: {  	s29 =	simm.s32 $0xE500;
	v27 =	vmul.f32 v32, v27;
	v29 =	vmul.f32 v50, v29;
	v47 =	vsub.s32 $0x5F3759DF, v58  }
0xba: {  	[tilespmem:s29+$0xB0] =	vst v39;
	v18 =	vsub.f32 v18, v49;
	v21 =	vsub.f32 v21, v49;
	v33 =	vmul.f32 v47, v33  }
0xbb: {  	[tilespmem:s29+$0xFFFFFF80] =	vst v44;
	v60 =	vsub.f32 v22, v46;
	v22 =	vsub.f32 $1.500000000e+00, v27;
	v29 =	vmul.f32 v50, v29  }
0xbc: {  	[tilespmem:s29+$0xFFFFFF90] =	vst v45;
	v19 =	vsub.f32 v19, v49;
	v24 =	vsub.f32 v24, v46;
	v33 =	vmul.f32 v47, v33  }
0xbd: {  	[tilespmem:s29+$0xFFFFFF00] =	vst v40;
	v61 =	vsub.f32 v20, v46;
	v20 =	vmul.f32 v32, v22;
	v29 =	vsub.f32 $1.500000000e+00, v29  }
0xbe: {  	v35 =	vmul.f32 v35, v7;
	[tilespmem:s29+$0xFFFFFF10] =	vst v41;
	v25 =	vsub.f32 v25, v46;
	v27 =	vsub.f32 $1.500000000e+00, v33  }
0xbf: {  	[tilespmem:s29+$0xFFFFFF20] =	vst v42;
	v63 =	vsub.f32 v15, v34;
	v32 =	vmul.f32 v20, v51;
	v62 =	vmul.f32 v50, v29  }
0xc0: {  	[tilespmem:s29+$0xFFFFFF30] =	vst v43;
	s28 =	simm.s32 $0xE700;
	v29 =	vmul.f32 v20, v26;
	v26 =	vadd.f32 v35, v11;
	v27 =	vmul.f32 v47, v27  }
0xc1: {  	v15 =	vsub.f32 v16, v34;
	[tilespmem:s28+$0xB0] =	vst v30;
	v31 =	vmul.f32 v20, v31;
	v16 =	vmul.f32 v20, v28  }
0xc2: {  	[tilespmem:s29+$0xFFFFFFB0] =	vst v26;
	v26 =	vmul.f32 v23, v14;
	v30 =	vmul.f32 v27, v17;
	v17 =	vadd.f32 v54, v8  }
0xc3: {  	[tilespmem:s29+$0xFFFFFFA0] =	vst v36;
	v22 =	vmul.f32 v27, v18;
	v20 =	vmul.f32 v27, v19;
	v19 =	vadd.f32 v53, v9  }
0xc4: {  	v28 =	vmul.f32 v27, v21;
	v27 =	vmul.f32 v62, v60;
	[tilespmem:s29+$0x0] =	vst v17;
	v17 =	vadd.f32 v52, v10  }
0xc5: {  	v21 =	vmul.f32 v62, v24;
	v18 =	vmul.f32 v62, v61;
	[tilespmem:s29+$0x10] =	vst v19;
	v19 =	vadd.f32 v55, v11  }
0xc6: {  	s30 =	simm.s32 $0x4;
	s31 =	simm.s32 $0x6680;
	v24 =	vmul.f32 v62, v25;
	v25 =	vmul.f32 v23, v63;
	[tilespmem:s29+$0x20] =	vst v17;
	v17 =	vadd.f32 v56, v8  }
.LBB2_3:
0xc7: {  	v14 =	vld [tilespmem:s31+$0x40];
	v32 =	vmul.f32 v32, v4;
	v23 =	vmul.f32 v23, v15;
	[tilespmem:s29+$0x30] =	vst v19;
	v13 =	vadd.f32 v13, v9  }
0xc8: {  	v19 =	vmul.f32 v31, v5;
	v33 =	vmul.f32 v16, v6;
	v12 =	vadd.f32 v12, v10;
	v15 =	vld [tilespmem:s31+$0x50];
	[tilespmem:s29+$0x80] =	vst v17  }
0xc9: {  	v29 =	vmul.f32 v29, v7;
	v30 =	vmul.f32 v30, v4;
	v16 =	vld [tilespmem:s31+$0x60];
	v17 =	vadd.f32 v32, v8;
	[tilespmem:s29+$0x90] =	vst v13  }
0xca: {  	v34 =	vmul.f32 v28, v6;
	v13 =	vadd.f32 v19, v9;
	v32 =	vmul.f32 v22, v5;
	v35 =	vld [tilespmem:s31+$0x70];
	[tilespmem:s29+$0xA0] =	vst v12;
	s29 =	smov.u32 s28  }
0xcb: {  	s30 =	sadd.s32 $0x4, s30;
	v22 =	vmul.f32 v20, v7;
	v20 =	vmul.f32 v27, v4;
	v12 =	vadd.f32 v33, v10;
	v31 =	vld [tilespmem:s31+$0xFFFFFF90];
	[tilespmem:s28+$0xFFFFFF00] =	vst v17  }
0xcc: {  	v21 =	vmul.f32 v21, v5;
	v18 =	vmul.f32 v18, v6;
	p0 =	slt.u32 s30, $0xFC;
	v27 =	vld [tilespmem:s31+$0xFFFFFFA0];
	[tilespmem:s28+$0xFFFFFF10] =	vst v13;
	v13 =	vadd.f32 v29, v11  }
0xcd: {  	v19 =	vmul.f32 v24, v7;
	v17 =	vmul.f32 v26, v4;
	v29 =	vadd.f32 v30, v8;
	v28 =	vld [tilespmem:s31+$0xFFFFFFB0];
	[tilespmem:s28+$0xFFFFFF20] =	vst v12  }
0xce: {  	v30 =	vadd.f32 v15, v14;
	v12 =	vmul.f32 v23, v6;
	v24 =	vld [tilespmem:s31+$0xFFFFFFC0];
	[tilespmem:s28+$0xFFFFFF30] =	vst v13;
	v13 =	vmul.f32 v25, v5  }
0xcf: {  	v33 =	vmul.f32 v14, v14;
	v36 =	vmul.f32 v15, v15;
	v25 =	vld [tilespmem:s31+$0xFFFFFFD0];
	v23 =	vadd.f32 v35, v16;
	[tilespmem:s28+$0xFFFFFF80] =	vst v29  }
0xd0: {  	v32 =	vadd.f32 v32, v9;
	v37 =	vmul.f32 v16, v16;
	v38 =	vmul.f32 v35, v35;
	v26 =	vld [tilespmem:s31+$0xFFFFFFE0]  }
0xd1: {  	v39 =	vmul.f32 v31, v31;
	v40 =	vmul.f32 v27, v27;
	v29 =	vld [tilespmem:s31+$0xFFFFFFF0];
	v23 =	vadd.f32 v23, v30  }
0xd2: {  	v36 =	vadd.f32 v36, v33;
	v37 =	vadd.f32 v38, v37;
	v41 =	vmul.f32 v28, v28;
	v30 =	vld [tilespmem:s31+$0x0];
	[tilespmem:s28+$0xFFFFFF90] =	vst v32  }
0xd3: {  	v43 =	vadd.f32 v34, v10;
	v38 =	vadd.f32 v28, v27;
	v42 =	vmul.f32 v24, v24;
	v33 =	vld [tilespmem:s31+$0x10]  }
0xd4: {  	v36 =	vadd.f32 v37, v36;
	v45 =	vperm.xlane v23, v0;
	v44 =	vadd.f32 v25, v24;
	v32 =	vld [tilespmem:s31+$0x20]  }
0xd5: {  	v40 =	vadd.f32 v41, v40;
	v41 =	vmul.f32 v25, v25;
	v46 =	vmul.f32 v26, v26;
	v34 =	vld [tilespmem:s31+$0x30];
	[tilespmem:s28+$0xFFFFFFA0] =	vst v43  }
0xd6: {  	v23 =	vadd.f32 v23, v45;
	v45 =	vperm.xlane v36, v0;
	v37 =	vld [tilespmem:s31+$0xFFFFFF80];
	v43 =	vadd.f32 v29, v26  }
0xd7: {  	v41 =	vadd.f32 v41, v42;
	v42 =	vmul.f32 v29, v29;
	v47 =	vmul.f32 v30, v30  }
0xd8: {  	v49 =	vperm.xlane v23, v1;
	v36 =	vadd.f32 v45, v36;
	v48 =	vadd.f32 v33, v30  }
0xd9: {  	v43 =	vadd.f32 v43, v44;
	v44 =	vmul.f32 v33, v33;
	v45 =	vmul.f32 v32, v32  }
0xda: {  	v23 =	vadd.f32 v23, v49;
	v49 =	vperm.xlane v36, v1;
	v50 =	vadd.f32 v34, v32  }
0xdb: {  	v53 =	vmul.f32 v34, v34;
	v51 =	vadd.f32 v31, v37;
	v52 =	vmul.f32 v37, v37  }
0xdc: {  	v42 =	vadd.f32 v42, v46;
	v46 =	vperm.xlane v23, v2;
	v36 =	vadd.f32 v49, v36  }
0xdd: {  	v49 =	vperm.xlane v43, v0;
	v38 =	vadd.f32 v38, v51;
	v39 =	vadd.f32 v39, v52  }
0xde: {  	v48 =	vadd.f32 v50, v48;
	v23 =	vadd.f32 v23, v46;
	v46 =	vperm.xlane v36, v2  }
0xdf: {  	v44 =	vadd.f32 v44, v47;
	v45 =	vadd.f32 v53, v45;
	v50 =	vperm.xlane v38, v0  }
0xe0: {  	v39 =	vadd.f32 v40, v39;
	v40 =	vperm.xlane v23, v3;
	v46 =	vadd.f32 v46, v36  }
0xe1: {  	v41 =	vadd.f32 v42, v41;
	v42 =	vadd.f32 v45, v44;
	v36 =	vperm.xlane v48, v0  }
0xe2: {  	v38 =	vadd.f32 v38, v50;
	v23 =	vadd.f32 v23, v40;
	v40 =	vperm.xlane v46, v3  }
0xe3: {  	v43 =	vadd.f32 v43, v49;
	v45 =	vperm.xlane v41, v0;
	v44 =	vperm.xlane v39, v0  }
0xe4: {  	v47 =	vadd.f32 v48, v36;
	v36 =	vmul.f32 $1.562500000e-02, v23;
	v23 =	vadd.f32 v40, v46  }
0xe5: {  	v40 =	vperm.xlane v38, v1;
	v39 =	vadd.f32 v44, v39;
	v44 =	vperm.xlane v42, v0  }
0xe6: {  	v41 =	vadd.f32 v45, v41;
	v23 =	vmul.f32 $1.562500000e-02, v23;
	v45 =	vmul.f32 v36, v36  }
0xe7: {  	v46 =	vperm.xlane v43, v1;
	v48 =	vperm.xlane v47, v1;
	v42 =	vadd.f32 v44, v42  }
0xe8: {  	v38 =	vadd.f32 v38, v40;
	v40 =	vperm.xlane v39, v1;
	v23 =	vsub.f32 v23, v45  }
0xe9: {  	v43 =	vadd.f32 v43, v46;
	v44 =	vperm.xlane v41, v1;
	v45 =	vadd.f32 v47, v48  }
0xea: {  	v46 =	vperm.xlane v38, v2;
	v47 =	vperm.xlane v42, v1;
	v23 =	vadd.f32 $9.999999740e-06, v23  }
0xeb: {  	v39 =	vadd.f32 v40, v39;
	v40 =	vperm.xlane v43, v2;
	v41 =	vadd.f32 v44, v41  }
0xec: {  	v44 =	vperm.xlane v45, v2;
	v48 =	vshra.s32 v23, $0x1;
	v23 =	vmul.f32 $5.000000000e-01, v23  }
0xed: {  	v38 =	vadd.f32 v38, v46;
	v42 =	vadd.f32 v47, v42;
	v46 =	vsub.s32 $0x5F3759DF, v48  }
0xee: {  	v47 =	vperm.xlane v39, v2;
	v40 =	vadd.f32 v43, v40;
	v23 =	vmul.f32 v46, v23  }
0xef: {  	v43 =	vperm.xlane v41, v2;
	v44 =	vadd.f32 v45, v44;
	v45 =	vperm.xlane v42, v2  }
0xf0: {  	v39 =	vadd.f32 v47, v39;
	v48 =	vperm.xlane v38, v3;
	v23 =	vmul.f32 v46, v23  }
0xf1: {  	v47 =	vperm.xlane v40, v3;
	v41 =	vadd.f32 v43, v41;
	v43 =	vperm.xlane v44, v3  }
0xf2: {  	v49 =	vperm.xlane v39, v3;
	v42 =	vadd.f32 v45, v42;
	v23 =	vsub.f32 $1.500000000e+00, v23  }
0xf3: {  	v40 =	vadd.f32 v40, v47;
	v45 =	vperm.xlane v41, v3;
	v38 =	vadd.f32 v38, v48  }
0xf4: {  	v35 =	vsub.f32 v35, v36;
	v43 =	vadd.f32 v44, v43;
	v23 =	vmul.f32 v46, v23  }
0xf5: {  	v39 =	vadd.f32 v49, v39;
	v44 =	vperm.xlane v42, v3;
	v38 =	vmul.f32 $1.562500000e-02, v38  }
0xf6: {  	v40 =	vmul.f32 $1.562500000e-02, v40;
	v41 =	vadd.f32 v45, v41;
	v35 =	vmul.f32 v23, v35  }
0xf7: {  	v39 =	vmul.f32 $1.562500000e-02, v39;
	v43 =	vmul.f32 $1.562500000e-02, v43;
	v42 =	vadd.f32 v44, v42  }
0xf8: {  	v44 =	vmul.f32 v38, v38;
	v37 =	vsub.f32 v37, v38;
	v35 =	vmul.f32 v35, v7  }
0xf9: {  	v41 =	vmul.f32 $1.562500000e-02, v41;
	v45 =	vmul.f32 v40, v40;
	v31 =	vsub.f32 v31, v38  }
0xfa: {  	v42 =	vmul.f32 $1.562500000e-02, v42;
	v46 =	vmul.f32 v43, v43;
	v35 =	vadd.f32 v35, v11  }
0xfb: {  	s28 =	sadd.s32 $0x200, s28;
	v41 =	vsub.f32 v41, v45;
	v39 =	vsub.f32 v39, v44  }
0xfc: {  	v27 =	vsub.f32 v27, v38;
	v42 =	vsub.f32 v42, v46;
	[tilespmem:s28+$0xB0] =	vst v35  }
0xfd: {  	v35 =	vadd.f32 $9.999999740e-06, v39;
	v39 =	vadd.f32 $9.999999740e-06, v41  }
0xfe: {  	v28 =	vsub.f32 v28, v38;
	v38 =	vadd.f32 $9.999999740e-06, v42  }
0xff: {  	v41 =	vshra.s32 v35, $0x1;
	v35 =	vmul.f32 $5.000000000e-01, v35;
	v42 =	vshra.s32 v39, $0x1  }
0x100: {  	v44 =	vshra.s32 v38, $0x1;
	v38 =	vmul.f32 $5.000000000e-01, v38;
	v39 =	vmul.f32 $5.000000000e-01, v39  }
0x101: {  	v44 =	vsub.s32 $0x5F3759DF, v44;
	v41 =	vsub.s32 $0x5F3759DF, v41;
	v42 =	vsub.s32 $0x5F3759DF, v42  }
0x102: {  	v24 =	vsub.f32 v24, v40;
	v35 =	vmul.f32 v41, v35;
	v39 =	vmul.f32 v42, v39  }
0x103: {  	v25 =	vsub.f32 v25, v40;
	v26 =	vsub.f32 v26, v40;
	v38 =	vmul.f32 v44, v38  }
0x104: {  	v40 =	vsub.f32 v29, v40;
	v35 =	vmul.f32 v41, v35;
	v39 =	vmul.f32 v42, v39  }
0x105: {  	v33 =	vsub.f32 v33, v43;
	v29 =	vmul.f32 v44, v38;
	v38 =	vsub.f32 v30, v43  }
0x106: {  	v30 =	vsub.f32 $1.500000000e+00, v35;
	v35 =	vsub.f32 $1.500000000e+00, v39  }
0x107: {  	v29 =	vsub.f32 $1.500000000e+00, v29;
	v39 =	vsub.f32 v32, v43  }
0x108: {  	v34 =	vsub.f32 v34, v43;
	v30 =	vmul.f32 v41, v30;
	v35 =	vmul.f32 v42, v35  }
0x109: {  	v14 =	vsub.f32 v14, v36;
	v41 =	vmul.f32 v44, v29;
	v42 =	vsub.f32 v15, v36  }
0x10a: {  	v15 =	vsub.f32 v16, v36;
	v32 =	vmul.f32 v30, v37;
	v31 =	vmul.f32 v30, v31  }
0x10b: {  	v16 =	vmul.f32 v30, v27;
	v29 =	vmul.f32 v30, v28;
	v27 =	vadd.f32 v22, v11  }
.Ltmp0:
0x10c: {  	v30 =	vmul.f32 v35, v24;
	v22 =	vmul.f32 v35, v25;
	v24 =	vadd.f32 v20, v8;
	(pc) =	sbr.rel @p0 .LBB2_3-.Ltmp0, $4  }
0x10d: {  	v28 =	vmul.f32 v35, v26;
	v20 =	vmul.f32 v35, v40;
	v25 =	vadd.f32 v21, v9;
	[tilespmem:s29+$0xFFFFFFB0] =	vst v27  }
0x10e: {  	v21 =	vmul.f32 v41, v33;
	v33 =	vadd.f32 v18, v10;
	v27 =	vmul.f32 v41, v38;
	[tilespmem:s29+$0x0] =	vst v24  }
0x10f: {  	v19 =	vadd.f32 v19, v11;
	v18 =	vmul.f32 v41, v39;
	v24 =	vmul.f32 v41, v34;
	[tilespmem:s29+$0x10] =	vst v25  }
0x110: {  	v17 =	vadd.f32 v17, v8;
	s31 =	sadd.s32 $0x100, s31;
	v26 =	vmul.f32 v23, v14;
	v25 =	vmul.f32 v23, v42;
	[tilespmem:s29+$0x20] =	vst v33  }
0x111: {  	v14 =	vmul.f32 v32, v4;
	[tilespmem:s29+$0x30] =	vst v19;
	v13 =	vadd.f32 v13, v9  }
0x112: {  	v19 =	vmul.f32 v31, v5;
	v12 =	vadd.f32 v12, v10;
	[tilespmem:s29+$0x80] =	vst v17  }
0x113: {  	v16 =	vmul.f32 v16, v6;
	v14 =	vadd.f32 v14, v8;
	[tilespmem:s29+$0x90] =	vst v13  }
0x114: {  	v13 =	vmul.f32 v29, v7;
	v17 =	vadd.f32 v19, v9;
	[tilespmem:s29+$0xA0] =	vst v12  }
0x115: {  	v12 =	vmul.f32 v30, v4;
	[tilespmem:s28+$0xFFFFFF00] =	vst v14;
	v14 =	vadd.f32 v16, v10  }
0x116: {  	v16 =	vmul.f32 v22, v5;
	[tilespmem:s28+$0xFFFFFF10] =	vst v17;
	v13 =	vadd.f32 v13, v11  }
0x117: {  	v17 =	vmul.f32 v28, v6;
	v12 =	vadd.f32 v12, v8;
	[tilespmem:s28+$0xFFFFFF20] =	vst v14  }
0x118: {  	v14 =	vmul.f32 v20, v7;
	[tilespmem:s28+$0xFFFFFF30] =	vst v13;
	v13 =	vadd.f32 v16, v9  }
0x119: {  	v16 =	vmul.f32 v27, v4;
	[tilespmem:s28+$0xFFFFFF80] =	vst v12;
	v12 =	vadd.f32 v17, v10  }
0x11a: {  	v17 =	vmul.f32 v21, v5;
	[tilespmem:s28+$0xFFFFFF90] =	vst v13;
	v13 =	vadd.f32 v14, v11  }
0x11b: {  	v14 =	vmul.f32 v18, v6;
	[tilespmem:s28+$0xFFFFFFA0] =	vst v12;
	v12 =	vadd.f32 v16, v8  }
0x11c: {  	v16 =	vmul.f32 v24, v7;
	[tilespmem:s28+$0xFFFFFFB0] =	vst v13;
	v13 =	vadd.f32 v17, v9  }
0x11d: {  	v15 =	vmul.f32 v23, v15;
	v17 =	vmul.f32 v26, v4;
	[tilespmem:s28+$0x0] =	vst v12;
	v12 =	vadd.f32 v14, v10  }
0x11e: {  	v14 =	vmul.f32 v25, v5;
	[tilespmem:s28+$0x10] =	vst v13;
	v13 =	vadd.f32 v16, v11  }
0x11f: {  	v15 =	vmul.f32 v15, v6;
	[tilespmem:s28+$0x20] =	vst v12;
	v12 =	vadd.f32 v17, v8  }
0x120: {  	s29 =	sshll.u32 s25, $0x10;
	[tilespmem:s28+$0x30] =	vst v13;
	v13 =	vadd.f32 v14, v9  }
0x121: {  	s29 =	sadd.s32 s8, s29;
	[tilespmem:s28+$0x80] =	vst v12;
	v12 =	vadd.f32 v15, v10  }
0x122: {  	s29 =	sshrl.u32 s29, $0x3;
	[tilespmem:s28+$0x90] =	vst v13  }
0x123: {  	p0 =	seq.s32 s25, $0x31;
	[tilespmem:s28+$0xA0] =	vst v12;
	s28 =	sadd.s32 s6, s29  }
0x124: {  	[hbm4b:s28+s3] =	stream.linear.scatter [tilespmem:s19], [sflag:$0x3], $0x8000, $0x38;
	[tilespmem:$0x1E480] =	vst v63  }
0x125: {  	s28 =	simm.s32 @!p0 $0x3  }
0x126: {  	_ =	swait.ge @!p0 [sflag:s28], $0x8000  }
0x127: {  	s29 =	sshll.u32 @!p0 s25, $0x9;
	[sflag:s28] =	ssyncset.done @!p0 $0x0  }
0x128: {  	[sflag:s28] =	ssyncadd.s32 @!p0 $0xFFFF8000;
	s28 =	sand.u32 @!p0 $0x3FFFFE00, s29  }
0x129: {  	s30 =	simm.s32 @!p0 $0x80;
	s31 =	simm.s32 @!p0 $0x6400;
	s29 =	sadd.s32 @!p0 $0x200, s28  }
0x12a: {  	[tilespmem:s31], [sflag:$0x1] =	stream.indirect.gather @!p0 [hbm4b:s5+s30], $0x40, s29, s30, $0xb8;
	[tilespmem:$0x1E480] =	vst v63  }
0x12b: {  	s28 =	sadd.s32 @!p0 $0x280, s28;
	s29 =	simm.s32 @!p0 $0x8400  }
0x12c: {  	[tilespmem:s29], [sflag:$0x1] =	stream.indirect.gather @!p0 [hbm4b:s5+s30], $0x40, s28, s30, $0xb8;
	[tilespmem:$0x1E480] =	vst v63  }
0x12d: {  	_ =	swait.ge [sflag:s20], $0x2000  }
0x12e: {  	[sflag:s20] =	ssyncset.done $0x0  }
0x12f: {  	[sflag:s20] =	ssyncadd.s32 $0xFFFFE000  }
0x130: {  	_ =	swait.ge [sflag:s20], $0x2000  }
0x131: {  	[sflag:s20] =	ssyncset.done $0x0  }
0x132: {  	s28 =	simm.s32 $0xA4F0;
	[sflag:s20] =	ssyncadd.s32 $0xFFFFE000  }
0x133: {  	v17 =	vld [tilespmem:s28+$0xFFFFFFD0]  }
0x134: {  	v13 =	vld [tilespmem:s28+$0xFFFFFFE0]  }
0x135: {  	v12 =	vld [tilespmem:s28+$0xFFFFFFF0]  }
0x136: {  	v26 =	vld [tilespmem:s28+$0x0]  }
0x137: {  	v25 =	vld [tilespmem:s28+$0xFFFFFF20]  }
0x138: {  	v21 =	vld [tilespmem:s28+$0xFFFFFF30]  }
0x139: {  	v22 =	vld [tilespmem:s28+$0xFFFFFF40]  }
0x13a: {  	v16 =	vld [tilespmem:s28+$0xFFFFFF50]  }
0x13b: {  	v15 =	vld [tilespmem:s28+$0xFFFFFF60]  }
0x13c: {  	v14 =	vld [tilespmem:s28+$0xFFFFFF70]  }
0x13d: {  	v18 =	vld [tilespmem:s28+$0xFFFFFF80]  }
0x13e: {  	v37 =	vld [tilespmem:s28+$0xFFFFFF10];
	v23 =	vmul.f32 v17, v17  }
0x13f: {  	v19 =	vadd.f32 v13, v17;
	v24 =	vmul.f32 v13, v13;
	v27 =	vmul.f32 v12, v12  }
0x140: {  	v20 =	vadd.f32 v26, v12;
	v28 =	vmul.f32 v26, v26;
	v29 =	vmul.f32 v25, v25  }
0x141: {  	v31 =	vmul.f32 v21, v21;
	v53 =	vadd.f32 v22, v21;
	v33 =	vmul.f32 v16, v16  }
0x142: {  	v34 =	vadd.f32 v15, v16;
	v36 =	vmul.f32 v14, v14;
	v38 =	vadd.f32 v18, v14  }
0x143: {  	v55 =	vmul.f32 v18, v18;
	v43 =	vadd.f32 v25, v37;
	v30 =	vadd.f32 v20, v19  }
0x144: {  	v24 =	vadd.f32 v24, v23;
	v27 =	vadd.f32 v28, v27;
	v28 =	vmul.f32 v22, v22  }
0x145: {  	v44 =	vmul.f32 v37, v37;
	v19 =	vld [tilespmem:s28+$0xFFFFFF90];
	v34 =	vadd.f32 v38, v34;
	v32 =	vadd.f32 v53, v43  }
0x146: {  	v23 =	vld [tilespmem:s28+$0xFFFFFFA0];
	v35 =	vperm.xlane v30, v0;
	v28 =	vadd.f32 v28, v31;
	v31 =	vmul.f32 v15, v15  }
0x147: {  	v20 =	vld [tilespmem:s28+$0xFFFFFFB0];
	v29 =	vadd.f32 v29, v44;
	v27 =	vadd.f32 v27, v24;
	v60 =	vperm.xlane v34, v0  }
0x148: {  	v24 =	vld [tilespmem:s28+$0xFFFFFFC0];
	v62 =	vperm.xlane v32, v0;
	v30 =	vadd.f32 v30, v35;
	v31 =	vadd.f32 v31, v33  }
0x149: {  	v33 =	vadd.f32 v55, v36;
	v28 =	vadd.f32 v28, v29  }
0x14a: {  	v54 =	vperm.xlane v27, v0;
	v44 =	vadd.f32 v32, v62;
	v34 =	vadd.f32 v34, v60  }
0x14b: {  	v39 =	vmul.f32 v19, v19;
	v40 =	vadd.f32 v23, v19;
	v56 =	vmul.f32 v23, v23  }
0x14c: {  	v57 =	vmul.f32 v20, v20;
	v41 =	vperm.xlane v30, v1;
	v27 =	vadd.f32 v54, v27  }
0x14d: {  	v31 =	vadd.f32 v33, v31;
	v48 =	vperm.xlane v34, v1;
	v42 =	vadd.f32 v24, v20  }
0x14e: {  	v45 =	vmul.f32 v24, v24;
	v35 =	vadd.f32 v56, v39;
	v30 =	vadd.f32 v30, v41  }
0x14f: {  	v58 =	vperm.xlane v27, v1;
	v46 =	vperm.xlane v31, v0;
	v34 =	vadd.f32 v34, v48  }
0x150: {  	v40 =	vadd.f32 v42, v40;
	v38 =	vadd.f32 v45, v57;
	v45 =	vperm.xlane v28, v0  }
0x151: {  	v59 =	vperm.xlane v30, v2;
	v27 =	vadd.f32 v58, v27;
	v31 =	vadd.f32 v46, v31  }
0x152: {  	v53 =	vperm.xlane v34, v2;
	v63 =	vadd.f32 v38, v35;
	v43 =	vperm.xlane v40, v0  }
0x153: {  	v28 =	vadd.f32 v45, v28;
	v30 =	vadd.f32 v30, v59;
	v61 =	vperm.xlane v27, v2  }
0x154: {  	v50 =	vperm.xlane v31, v1;
	v33 =	vadd.f32 v34, v53;
	v35 =	vadd.f32 v40, v43  }
0x155: {  	v49 =	vperm.xlane v28, v1;
	v29 =	vperm.xlane v30, v3;
	v27 =	vadd.f32 v61, v27  }
0x156: {  	v31 =	vadd.f32 v50, v31;
	v61 =	vperm.xlane v33, v3;
	v40 =	vperm.xlane v35, v1  }
0x157: {  	v28 =	vadd.f32 v49, v28;
	v29 =	vadd.f32 v30, v29;
	v30 =	vperm.xlane v27, v3  }
0x158: {  	v58 =	vperm.xlane v31, v2;
	v33 =	vadd.f32 v33, v61;
	v35 =	vadd.f32 v35, v40  }
0x159: {  	v57 =	vperm.xlane v28, v2;
	v32 =	vmul.f32 $1.562500000e-02, v29;
	v27 =	vadd.f32 v30, v27  }
0x15a: {  	v29 =	vperm.xlane v44, v1;
	v30 =	vperm.xlane v63, v0;
	v31 =	vadd.f32 v58, v31  }
0x15b: {  	v28 =	vadd.f32 v57, v28;
	v27 =	vmul.f32 $1.562500000e-02, v27;
	v47 =	vmul.f32 v32, v32  }
0x15c: {  	v33 =	vmul.f32 $1.562500000e-02, v33;
	v30 =	vadd.f32 v30, v63;
	v29 =	vadd.f32 v44, v29  }
0x15d: {  	v54 =	vperm.xlane v35, v2;
	v26 =	vsub.f32 v26, v32;
	v27 =	vsub.f32 v27, v47  }
0x15e: {  	v13 =	vsub.f32 v13, v32;
	v51 =	vperm.xlane v29, v2;
	v52 =	vperm.xlane v30, v1  }
0x15f: {  	v44 =	vperm.xlane v31, v3;
	v35 =	vadd.f32 v35, v54;
	v27 =	vadd.f32 $9.999999740e-06, v27  }
0x160: {  	v62 =	vperm.xlane v28, v3;
	v30 =	vadd.f32 v52, v30;
	v29 =	vadd.f32 v29, v51  }
0x161: {  	v31 =	vadd.f32 v44, v31;
	v55 =	vshra.s32 v27, $0x1;
	v27 =	vmul.f32 $5.000000000e-01, v27  }
0x162: {  	v59 =	vperm.xlane v30, v2;
	v60 =	vperm.xlane v29, v3;
	v56 =	vsub.s32 $0x5F3759DF, v55  }
0x163: {  	v63 =	vperm.xlane v35, v3;
	v28 =	vadd.f32 v62, v28;
	v27 =	vmul.f32 v56, v27  }
0x164: {  	v48 =	vmul.f32 v33, v33;
	v30 =	vadd.f32 v59, v30;
	v29 =	vadd.f32 v29, v60  }
0x165: {  	v31 =	vmul.f32 $1.562500000e-02, v31;
	v45 =	vadd.f32 v35, v63;
	v27 =	vmul.f32 v56, v27  }
0x166: {  	v12 =	vsub.f32 v12, v32;
	v29 =	vmul.f32 $1.562500000e-02, v29;
	v46 =	vperm.xlane v30, v3  }
0x167: {  	v28 =	vmul.f32 $1.562500000e-02, v28;
	v31 =	vsub.f32 v31, v48;
	v34 =	vmul.f32 $1.562500000e-02, v45  }
0x168: {  	v30 =	vadd.f32 v46, v30;
	v47 =	vmul.f32 v29, v29;
	v27 =	vsub.f32 $1.500000000e+00, v27  }
0x169: {  	v49 =	vmul.f32 v34, v34;
	v25 =	vsub.f32 v25, v29;
	v21 =	vsub.f32 v21, v29  }
0x16a: {  	v22 =	vsub.f32 v22, v29;
	v30 =	vmul.f32 $1.562500000e-02, v30;
	v28 =	vsub.f32 v28, v47  }
0x16b: {  	v50 =	vmul.f32 v56, v27;
	v27 =	vadd.f32 $9.999999740e-06, v31;
	v31 =	vsub.f32 v37, v29  }
0x16c: {  	v29 =	vsub.f32 v16, v33;
	v30 =	vsub.f32 v30, v49  }
0x16d: {  	v28 =	vadd.f32 $9.999999740e-06, v28;
	v52 =	vshra.s32 v27, $0x1;
	v27 =	vmul.f32 $5.000000000e-01, v27  }
0x16e: {  	v39 =	vmul.f32 v50, v26;
	v36 =	vsub.s32 $0x5F3759DF, v52;
	v30 =	vadd.f32 $9.999999740e-06, v30  }
0x16f: {  	v51 =	vshra.s32 v28, $0x1;
	v28 =	vmul.f32 $5.000000000e-01, v28;
	v27 =	vmul.f32 v36, v27  }
0x170: {  	v35 =	vsub.s32 $0x5F3759DF, v51;
	v53 =	vshra.s32 v30, $0x1;
	v30 =	vmul.f32 $5.000000000e-01, v30  }
0x171: {  	v28 =	vmul.f32 v35, v28;
	v16 =	vmul.f32 v36, v27;
	v37 =	vsub.s32 $0x5F3759DF, v53  }
0x172: {  	v13 =	vmul.f32 v50, v13;
	v30 =	vmul.f32 v37, v30  }
0x173: {  	v12 =	vmul.f32 v50, v12;
	v28 =	vmul.f32 v35, v28;
	v16 =	vsub.f32 $1.500000000e+00, v16  }
0x174: {  	v39 =	vmul.f32 v39, v7;
	v27 =	vmul.f32 v37, v30  }
0x175: {  	v30 =	vsub.f32 v15, v33;
	v15 =	vsub.f32 $1.500000000e+00, v28;
	v54 =	vmul.f32 v36, v16  }
0x176: {  	v18 =	vsub.f32 v18, v33;
	v13 =	vmul.f32 v13, v5;
	v12 =	vmul.f32 v12, v6  }
0x177: {  	s28 =	simm.s32 $0xA5F0;
	v26 =	vsub.f32 $1.500000000e+00, v27;
	v28 =	vmul.f32 v35, v15;
	v44 =	vmul.f32 v54, v29  }
0x178: {  	v19 =	vsub.f32 v19, v34;
	v16 =	vld [tilespmem:s28+$0xFFFFFFF0];
	v45 =	vmul.f32 v54, v30;
	v35 =	vmul.f32 v54, v18  }
0x179: {  	v27 =	vsub.f32 v14, v33;
	v26 =	vmul.f32 v37, v26;
	v40 =	vmul.f32 v28, v31  }
0x17a: {  	v55 =	vsub.f32 v23, v34;
	v41 =	vmul.f32 v28, v25;
	v42 =	vmul.f32 v28, v21  }
0x17b: {  	v20 =	vsub.f32 v20, v34;
	v43 =	vmul.f32 v28, v22;
	v36 =	vmul.f32 v54, v27  }
0x17c: {  	v14 =	vld [tilespmem:s28+$0xFFFFFFD0];
	v21 =	vsub.f32 v24, v34;
	v44 =	vmul.f32 v44, v4;
	v45 =	vmul.f32 v45, v5  }
0x17d: {  	v15 =	vld [tilespmem:s28+$0xFFFFFFE0];
	v22 =	vsub.f32 v17, v32;
	v56 =	vmul.f32 v16, v16;
	v23 =	vmul.f32 v26, v19  }
0x17e: {  	v33 =	vld [tilespmem:s28+$0x0];
	v30 =	vmul.f32 v26, v55;
	v29 =	vmul.f32 v26, v20  }
0x17f: {  	v52 =	vld [tilespmem:s28+$0xFFFFFF10];
	v27 =	vmul.f32 v26, v21;
	v32 =	vmul.f32 v50, v22  }
0x180: {  	v18 =	vld [tilespmem:s28+$0xFFFFFF60];
	v40 =	vmul.f32 v40, v4;
	v41 =	vmul.f32 v41, v5  }
0x181: {  	v39 =	vadd.f32 v39, v11;
	v31 =	vld [tilespmem:s28+$0xFFFFFF20];
	v42 =	vmul.f32 v42, v6;
	v43 =	vmul.f32 v43, v7  }
0x182: {  	v28 =	vld [tilespmem:s28+$0xFFFFFF30];
	v36 =	vmul.f32 v36, v6;
	v44 =	vadd.f32 v44, v8;
	v45 =	vadd.f32 v45, v9  }
0x183: {  	v17 =	vld [tilespmem:s28+$0xFFFFFF50];
	v19 =	vadd.f32 v15, v14;
	v20 =	vadd.f32 v33, v16;
	v24 =	vmul.f32 v14, v14  }
0x184: {  	v26 =	vld [tilespmem:s28+$0xFFFFFF40];
	v25 =	vmul.f32 v15, v15;
	v40 =	vadd.f32 v40, v8;
	v41 =	vadd.f32 v41, v9  }
0x185: {  	v57 =	vmul.f32 v33, v33;
	v42 =	vadd.f32 v42, v10;
	v43 =	vadd.f32 v43, v11  }
0x186: {  	v21 =	vld [tilespmem:s28+$0xFFFFFF70];
	v51 =	vmul.f32 v18, v18;
	v36 =	vadd.f32 v36, v10;
	v46 =	vadd.f32 v20, v19  }
0x187: {  	v22 =	vld [tilespmem:s28+$0xFFFFFF90];
	v20 =	vadd.f32 v25, v24;
	v25 =	vadd.f32 v57, v56;
	v34 =	vmul.f32 v31, v31  }
0x188: {  	v19 =	vld [tilespmem:s28+$0xFFFFFF80];
	v58 =	vmul.f32 v28, v28;
	v49 =	vmul.f32 v17, v17;
	v50 =	vadd.f32 v18, v17  }
0x189: {  	v24 =	vld [tilespmem:s28+$0xFFFFFFA0];
	v63 =	vadd.f32 v31, v52;
	v57 =	vmul.f32 v52, v52;
	v59 =	vmul.f32 v26, v26  }
0x18a: {  	v47 =	vadd.f32 v25, v20;
	v25 =	vperm.xlane v46, v0;
	v48 =	vadd.f32 v26, v28  }
0x18b: {  	v38 =	vmul.f32 v21, v21;
	v49 =	vadd.f32 v51, v49;
	v34 =	vadd.f32 v34, v57  }
0x18c: {  	v20 =	vld [tilespmem:s28+$0xFFFFFFB0];
	v55 =	vmul.f32 v22, v22;
	v46 =	vadd.f32 v46, v25;
	v37 =	vadd.f32 v59, v58  }
0x18d: {  	v53 =	vperm.xlane v47, v0;
	v25 =	vld [tilespmem:s28+$0xFFFFFFC0];
	v48 =	vadd.f32 v48, v63;
	v54 =	vadd.f32 v19, v21  }
0x18e: {  	v61 =	vmul.f32 v19, v19;
	v56 =	vadd.f32 v24, v22;
	v60 =	vperm.xlane v46, v1  }
0x18f: {  	v47 =	vadd.f32 v53, v47;
	v53 =	vmul.f32 v24, v24;
	v37 =	vadd.f32 v37, v34  }
0x190: {  	v50 =	vadd.f32 v54, v50;
	v38 =	vadd.f32 v61, v38;
	v54 =	vmul.f32 v23, v4  }
0x191: {  	v46 =	vadd.f32 v46, v60;
	v62 =	vperm.xlane v47, v1;
	v53 =	vadd.f32 v53, v55  }
0x192: {  	v55 =	vmul.f32 v27, v7;
	v60 =	vadd.f32 v25, v20;
	v63 =	vmul.f32 v25, v25  }
0x193: {  	v47 =	vadd.f32 v62, v47;
	v61 =	vperm.xlane v46, v2;
	v62 =	vmul.f32 v20, v20  }
0x194: {  	v38 =	vadd.f32 v38, v49;
	v51 =	vadd.f32 v60, v56;
	v60 =	vperm.xlane v48, v0  }
0x195: {  	v46 =	vadd.f32 v46, v61;
	v58 =	vperm.xlane v47, v2;
	v59 =	vadd.f32 v63, v62  }
0x196: {  	v62 =	vperm.xlane v50, v0;
	v63 =	vperm.xlane v51, v0;
	v48 =	vadd.f32 v48, v60  }
0x197: {  	v60 =	vperm.xlane v38, v0;
	v47 =	vadd.f32 v58, v47;
	v61 =	vperm.xlane v46, v3  }
0x198: {  	v53 =	vadd.f32 v59, v53;
	v49 =	vadd.f32 v50, v62;
	v59 =	vperm.xlane v37, v0  }
0x199: {  	v38 =	vadd.f32 v60, v38;
	v57 =	vadd.f32 v46, v61;
	v58 =	vperm.xlane v47, v3  }
0x19a: {  	v51 =	vadd.f32 v51, v63;
	v61 =	vperm.xlane v48, v1;
	v62 =	vperm.xlane v53, v0  }
0x19b: {  	v37 =	vadd.f32 v59, v37;
	v60 =	vperm.xlane v38, v1;
	v34 =	vmul.f32 $1.562500000e-02, v57  }
0x19c: {  	v46 =	vadd.f32 v58, v47;
	v50 =	vadd.f32 v62, v53;
	v57 =	vperm.xlane v49, v1  }
0x19d: {  	v47 =	vadd.f32 v48, v61;
	v58 =	vperm.xlane v51, v1;
	v59 =	vperm.xlane v37, v1  }
0x19e: {  	v38 =	vadd.f32 v60, v38;
	v46 =	vmul.f32 $1.562500000e-02, v46;
	v49 =	vadd.f32 v49, v57  }
0x19f: {  	v63 =	vmul.f32 v34, v34;
	v48 =	vadd.f32 v51, v58;
	v37 =	vadd.f32 v59, v37  }
0x1a0: {  	v61 =	vperm.xlane v47, v2;
	v62 =	vperm.xlane v50, v1;
	v33 =	vsub.f32 v33, v34  }
0x1a1: {  	v58 =	vperm.xlane v38, v2;
	v46 =	vsub.f32 v46, v63;
	v63 =	vperm.xlane v49, v2  }
0x1a2: {  	v47 =	vadd.f32 v47, v61;
	v50 =	vadd.f32 v62, v50;
	v56 =	vperm.xlane v48, v2  }
0x1a3: {  	v57 =	vperm.xlane v37, v2;
	v38 =	vadd.f32 v58, v38;
	v49 =	vadd.f32 v49, v63  }
0x1a4: {  	v53 =	vmul.f32 v30, v5;
	v46 =	vadd.f32 $9.999999740e-06, v46;
	v48 =	vadd.f32 v48, v56  }
0x1a5: {  	v37 =	vadd.f32 v57, v37;
	v59 =	vperm.xlane v50, v2;
	v61 =	vperm.xlane v47, v3  }
0x1a6: {  	v58 =	vperm.xlane v38, v3;
	v60 =	vshra.s32 v46, $0x1;
	v46 =	vmul.f32 $5.000000000e-01, v46  }
0x1a7: {  	v50 =	vadd.f32 v59, v50;
	v47 =	vadd.f32 v47, v61;
	v62 =	vperm.xlane v49, v3  }
0x1a8: {  	v63 =	vperm.xlane v48, v3;
	v57 =	vperm.xlane v37, v3;
	v51 =	vsub.s32 $0x5F3759DF, v60  }
0x1a9: {  	v38 =	vadd.f32 v58, v38;
	v46 =	vmul.f32 v51, v46;
	v49 =	vadd.f32 v49, v62  }
0x1aa: {  	v47 =	vmul.f32 $1.562500000e-02, v47;
	v37 =	vadd.f32 v57, v37;
	v59 =	vperm.xlane v50, v3  }
0x1ab: {  	v14 =	vsub.f32 v14, v34;
	v38 =	vmul.f32 $1.562500000e-02, v38;
	v46 =	vmul.f32 v51, v46  }
0x1ac: {  	v56 =	vadd.f32 v48, v63;
	v49 =	vmul.f32 $1.562500000e-02, v49;
	v37 =	vmul.f32 $1.562500000e-02, v37  }
0x1ad: {  	v48 =	vadd.f32 v59, v50;
	v60 =	vmul.f32 v47, v47;
	v23 =	vsub.f32 $1.500000000e+00, v46  }
0x1ae: {  	v31 =	vsub.f32 v31, v47;
	v28 =	vsub.f32 v28, v47;
	v46 =	vmul.f32 $1.562500000e-02, v56  }
0x1af: {  	v26 =	vsub.f32 v26, v47;
	v61 =	vmul.f32 v49, v49;
	v23 =	vmul.f32 v51, v23  }
0x1b0: {  	v48 =	vmul.f32 $1.562500000e-02, v48;
	v37 =	vsub.f32 v37, v60;
	v62 =	vmul.f32 v46, v46  }
0x1b1: {  	v56 =	vmul.f32 v32, v4;
	v51 =	vsub.f32 v52, v47;
	v33 =	vmul.f32 v23, v33  }
0x1b2: {  	v52 =	vmul.f32 v29, v6;
	v27 =	vadd.f32 $9.999999740e-06, v37;
	v29 =	vsub.f32 v48, v62  }
0x1b3: {  	v17 =	vsub.f32 v17, v49;
	v63 =	vsub.f32 v38, v61;
	v33 =	vmul.f32 v33, v7  }
0x1b4: {  	v57 =	vshra.s32 v27, $0x1;
	v27 =	vmul.f32 $5.000000000e-01, v27;
	v29 =	vadd.f32 $9.999999740e-06, v29  }
0x1b5: {  	v32 =	vsub.s32 $0x5F3759DF, v57;
	v30 =	vadd.f32 v33, v11;
	v33 =	vadd.f32 $9.999999740e-06, v63  }
0x1b6: {  	v27 =	vmul.f32 v32, v27;
	v59 =	vshra.s32 v29, $0x1;
	v29 =	vmul.f32 $5.000000000e-01, v29  }
0x1b7: {  	v50 =	vsub.s32 $0x5F3759DF, v59;
	v58 =	vshra.s32 v33, $0x1;
	v33 =	vmul.f32 $5.000000000e-01, v33  }
0x1b8: {  	s29 =	simm.s32 $0x165B0;
	v27 =	vmul.f32 v32, v27;
	v29 =	vmul.f32 v50, v29;
	v47 =	vsub.s32 $0x5F3759DF, v58  }
0x1b9: {  	[tilespmem:s29+$0x0] =	vst v39;
	v18 =	vsub.f32 v18, v49;
	v21 =	vsub.f32 v21, v49;
	v33 =	vmul.f32 v47, v33  }
0x1ba: {  	[tilespmem:s29+$0xFFFFFED0] =	vst v44;
	v60 =	vsub.f32 v22, v46;
	v22 =	vsub.f32 $1.500000000e+00, v27;
	v29 =	vmul.f32 v50, v29  }
0x1bb: {  	[tilespmem:s29+$0xFFFFFEE0] =	vst v45;
	v19 =	vsub.f32 v19, v49;
	v24 =	vsub.f32 v24, v46;
	v33 =	vmul.f32 v47, v33  }
0x1bc: {  	[tilespmem:s29+$0xFFFFFE50] =	vst v40;
	v61 =	vsub.f32 v20, v46;
	v20 =	vmul.f32 v32, v22;
	v29 =	vsub.f32 $1.500000000e+00, v29  }
0x1bd: {  	v35 =	vmul.f32 v35, v7;
	[tilespmem:s29+$0xFFFFFE60] =	vst v41;
	v25 =	vsub.f32 v25, v46;
	v27 =	vsub.f32 $1.500000000e+00, v33  }
0x1be: {  	[tilespmem:s29+$0xFFFFFE70] =	vst v42;
	v63 =	vsub.f32 v15, v34;
	v32 =	vmul.f32 v20, v51;
	v62 =	vmul.f32 v50, v29  }
0x1bf: {  	[tilespmem:s29+$0xFFFFFE80] =	vst v43;
	s28 =	simm.s32 $0x167B0;
	v29 =	vmul.f32 v20, v26;
	v26 =	vadd.f32 v35, v11;
	v27 =	vmul.f32 v47, v27  }
0x1c0: {  	v15 =	vsub.f32 v16, v34;
	[tilespmem:s28+$0x0] =	vst v30;
	v31 =	vmul.f32 v20, v31;
	v16 =	vmul.f32 v20, v28  }
0x1c1: {  	[tilespmem:s29+$0xFFFFFF00] =	vst v26;
	v26 =	vmul.f32 v23, v14;
	v30 =	vmul.f32 v27, v17;
	v17 =	vadd.f32 v54, v8  }
0x1c2: {  	[tilespmem:s29+$0xFFFFFEF0] =	vst v36;
	v22 =	vmul.f32 v27, v18;
	v20 =	vmul.f32 v27, v19;
	v19 =	vadd.f32 v53, v9  }
0x1c3: {  	v28 =	vmul.f32 v27, v21;
	v27 =	vmul.f32 v62, v60;
	[tilespmem:s29+$0xFFFFFF50] =	vst v17;
	v17 =	vadd.f32 v52, v10  }
0x1c4: {  	v21 =	vmul.f32 v62, v24;
	v18 =	vmul.f32 v62, v61;
	[tilespmem:s29+$0xFFFFFF60] =	vst v19;
	v19 =	vadd.f32 v55, v11  }
0x1c5: {  	s31 =	simm.s32 $0xA6F0;
	s30 =	simm.s32 $0x4;
	v24 =	vmul.f32 v62, v25;
	v25 =	vmul.f32 v23, v63;
	[tilespmem:s29+$0xFFFFFF70] =	vst v17;
	v17 =	vadd.f32 v56, v8  }
.LBB2_5:
0x1c6: {  	v14 =	vld [tilespmem:s31+$0xFFFFFFD0];
	v32 =	vmul.f32 v32, v4;
	v23 =	vmul.f32 v23, v15;
	[tilespmem:s29+$0xFFFFFF80] =	vst v19;
	v13 =	vadd.f32 v13, v9  }
0x1c7: {  	v19 =	vmul.f32 v31, v5;
	v33 =	vmul.f32 v16, v6;
	v12 =	vadd.f32 v12, v10;
	v15 =	vld [tilespmem:s31+$0xFFFFFFE0];
	[tilespmem:s29+$0xFFFFFFD0] =	vst v17  }
0x1c8: {  	v29 =	vmul.f32 v29, v7;
	v30 =	vmul.f32 v30, v4;
	v16 =	vld [tilespmem:s31+$0xFFFFFFF0];
	v17 =	vadd.f32 v32, v8;
	[tilespmem:s29+$0xFFFFFFE0] =	vst v13  }
0x1c9: {  	v34 =	vmul.f32 v28, v6;
	v13 =	vadd.f32 v19, v9;
	v32 =	vmul.f32 v22, v5;
	v35 =	vld [tilespmem:s31+$0x0];
	[tilespmem:s29+$0xFFFFFFF0] =	vst v12;
	s29 =	smov.u32 s28  }
0x1ca: {  	s30 =	sadd.s32 $0x4, s30;
	v22 =	vmul.f32 v20, v7;
	v20 =	vmul.f32 v27, v4;
	v12 =	vadd.f32 v33, v10;
	v31 =	vld [tilespmem:s31+$0xFFFFFF20];
	[tilespmem:s28+$0xFFFFFE50] =	vst v17  }
0x1cb: {  	v21 =	vmul.f32 v21, v5;
	v18 =	vmul.f32 v18, v6;
	p0 =	slt.u32 s30, $0xFC;
	v27 =	vld [tilespmem:s31+$0xFFFFFF30];
	[tilespmem:s28+$0xFFFFFE60] =	vst v13;
	v13 =	vadd.f32 v29, v11  }
0x1cc: {  	v19 =	vmul.f32 v24, v7;
	v17 =	vmul.f32 v26, v4;
	v29 =	vadd.f32 v30, v8;
	v28 =	vld [tilespmem:s31+$0xFFFFFF40];
	[tilespmem:s28+$0xFFFFFE70] =	vst v12  }
0x1cd: {  	v30 =	vadd.f32 v15, v14;
	v12 =	vmul.f32 v23, v6;
	v24 =	vld [tilespmem:s31+$0xFFFFFF50];
	[tilespmem:s28+$0xFFFFFE80] =	vst v13;
	v13 =	vmul.f32 v25, v5  }
0x1ce: {  	v33 =	vmul.f32 v14, v14;
	v36 =	vmul.f32 v15, v15;
	v25 =	vld [tilespmem:s31+$0xFFFFFF60];
	v23 =	vadd.f32 v35, v16;
	[tilespmem:s28+$0xFFFFFED0] =	vst v29  }
0x1cf: {  	v32 =	vadd.f32 v32, v9;
	v37 =	vmul.f32 v16, v16;
	v38 =	vmul.f32 v35, v35;
	v26 =	vld [tilespmem:s31+$0xFFFFFF70]  }
0x1d0: {  	v39 =	vmul.f32 v31, v31;
	v40 =	vmul.f32 v27, v27;
	v29 =	vld [tilespmem:s31+$0xFFFFFF80];
	v23 =	vadd.f32 v23, v30  }
0x1d1: {  	v36 =	vadd.f32 v36, v33;
	v37 =	vadd.f32 v38, v37;
	v41 =	vmul.f32 v28, v28;
	v30 =	vld [tilespmem:s31+$0xFFFFFF90];
	[tilespmem:s28+$0xFFFFFEE0] =	vst v32  }
0x1d2: {  	v43 =	vadd.f32 v34, v10;
	v38 =	vadd.f32 v28, v27;
	v42 =	vmul.f32 v24, v24;
	v33 =	vld [tilespmem:s31+$0xFFFFFFA0]  }
0x1d3: {  	v36 =	vadd.f32 v37, v36;
	v45 =	vperm.xlane v23, v0;
	v44 =	vadd.f32 v25, v24;
	v32 =	vld [tilespmem:s31+$0xFFFFFFB0]  }
0x1d4: {  	v40 =	vadd.f32 v41, v40;
	v41 =	vmul.f32 v25, v25;
	v46 =	vmul.f32 v26, v26;
	v34 =	vld [tilespmem:s31+$0xFFFFFFC0];
	[tilespmem:s28+$0xFFFFFEF0] =	vst v43  }
0x1d5: {  	v23 =	vadd.f32 v23, v45;
	v45 =	vperm.xlane v36, v0;
	v37 =	vld [tilespmem:s31+$0xFFFFFF10];
	v43 =	vadd.f32 v29, v26  }
0x1d6: {  	v41 =	vadd.f32 v41, v42;
	v42 =	vmul.f32 v29, v29;
	v47 =	vmul.f32 v30, v30  }
0x1d7: {  	v49 =	vperm.xlane v23, v1;
	v36 =	vadd.f32 v45, v36;
	v48 =	vadd.f32 v33, v30  }
0x1d8: {  	v43 =	vadd.f32 v43, v44;
	v44 =	vmul.f32 v33, v33;
	v45 =	vmul.f32 v32, v32  }
0x1d9: {  	v23 =	vadd.f32 v23, v49;
	v49 =	vperm.xlane v36, v1;
	v50 =	vadd.f32 v34, v32  }
0x1da: {  	v53 =	vmul.f32 v34, v34;
	v51 =	vadd.f32 v31, v37;
	v52 =	vmul.f32 v37, v37  }
0x1db: {  	v42 =	vadd.f32 v42, v46;
	v46 =	vperm.xlane v23, v2;
	v36 =	vadd.f32 v49, v36  }
0x1dc: {  	v49 =	vperm.xlane v43, v0;
	v38 =	vadd.f32 v38, v51;
	v39 =	vadd.f32 v39, v52  }
0x1dd: {  	v48 =	vadd.f32 v50, v48;
	v23 =	vadd.f32 v23, v46;
	v46 =	vperm.xlane v36, v2  }
0x1de: {  	v44 =	vadd.f32 v44, v47;
	v45 =	vadd.f32 v53, v45;
	v50 =	vperm.xlane v38, v0  }
0x1df: {  	v39 =	vadd.f32 v40, v39;
	v40 =	vperm.xlane v23, v3;
	v46 =	vadd.f32 v46, v36  }
0x1e0: {  	v41 =	vadd.f32 v42, v41;
	v42 =	vadd.f32 v45, v44;
	v36 =	vperm.xlane v48, v0  }
0x1e1: {  	v38 =	vadd.f32 v38, v50;
	v23 =	vadd.f32 v23, v40;
	v40 =	vperm.xlane v46, v3  }
0x1e2: {  	v43 =	vadd.f32 v43, v49;
	v45 =	vperm.xlane v41, v0;
	v44 =	vperm.xlane v39, v0  }
0x1e3: {  	v47 =	vadd.f32 v48, v36;
	v36 =	vmul.f32 $1.562500000e-02, v23;
	v23 =	vadd.f32 v40, v46  }
0x1e4: {  	v40 =	vperm.xlane v38, v1;
	v39 =	vadd.f32 v44, v39;
	v44 =	vperm.xlane v42, v0  }
0x1e5: {  	v41 =	vadd.f32 v45, v41;
	v23 =	vmul.f32 $1.562500000e-02, v23;
	v45 =	vmul.f32 v36, v36  }
0x1e6: {  	v46 =	vperm.xlane v43, v1;
	v48 =	vperm.xlane v47, v1;
	v42 =	vadd.f32 v44, v42  }
0x1e7: {  	v38 =	vadd.f32 v38, v40;
	v40 =	vperm.xlane v39, v1;
	v23 =	vsub.f32 v23, v45  }
0x1e8: {  	v43 =	vadd.f32 v43, v46;
	v44 =	vperm.xlane v41, v1;
	v45 =	vadd.f32 v47, v48  }
0x1e9: {  	v46 =	vperm.xlane v38, v2;
	v47 =	vperm.xlane v42, v1;
	v23 =	vadd.f32 $9.999999740e-06, v23  }
0x1ea: {  	v39 =	vadd.f32 v40, v39;
	v40 =	vperm.xlane v43, v2;
	v41 =	vadd.f32 v44, v41  }
0x1eb: {  	v44 =	vperm.xlane v45, v2;
	v48 =	vshra.s32 v23, $0x1;
	v23 =	vmul.f32 $5.000000000e-01, v23  }
0x1ec: {  	v38 =	vadd.f32 v38, v46;
	v42 =	vadd.f32 v47, v42;
	v46 =	vsub.s32 $0x5F3759DF, v48  }
0x1ed: {  	v47 =	vperm.xlane v39, v2;
	v40 =	vadd.f32 v43, v40;
	v23 =	vmul.f32 v46, v23  }
0x1ee: {  	v43 =	vperm.xlane v41, v2;
	v44 =	vadd.f32 v45, v44;
	v45 =	vperm.xlane v42, v2  }
0x1ef: {  	v39 =	vadd.f32 v47, v39;
	v48 =	vperm.xlane v38, v3;
	v23 =	vmul.f32 v46, v23  }
0x1f0: {  	v47 =	vperm.xlane v40, v3;
	v41 =	vadd.f32 v43, v41;
	v43 =	vperm.xlane v44, v3  }
0x1f1: {  	v49 =	vperm.xlane v39, v3;
	v42 =	vadd.f32 v45, v42;
	v23 =	vsub.f32 $1.500000000e+00, v23  }
0x1f2: {  	v40 =	vadd.f32 v40, v47;
	v45 =	vperm.xlane v41, v3;
	v38 =	vadd.f32 v38, v48  }
0x1f3: {  	v35 =	vsub.f32 v35, v36;
	v43 =	vadd.f32 v44, v43;
	v23 =	vmul.f32 v46, v23  }
0x1f4: {  	v39 =	vadd.f32 v49, v39;
	v44 =	vperm.xlane v42, v3;
	v38 =	vmul.f32 $1.562500000e-02, v38  }
0x1f5: {  	v40 =	vmul.f32 $1.562500000e-02, v40;
	v41 =	vadd.f32 v45, v41;
	v35 =	vmul.f32 v23, v35  }
0x1f6: {  	v39 =	vmul.f32 $1.562500000e-02, v39;
	v43 =	vmul.f32 $1.562500000e-02, v43;
	v42 =	vadd.f32 v44, v42  }
0x1f7: {  	v44 =	vmul.f32 v38, v38;
	v37 =	vsub.f32 v37, v38;
	v35 =	vmul.f32 v35, v7  }
0x1f8: {  	v41 =	vmul.f32 $1.562500000e-02, v41;
	v45 =	vmul.f32 v40, v40;
	v31 =	vsub.f32 v31, v38  }
0x1f9: {  	v42 =	vmul.f32 $1.562500000e-02, v42;
	v46 =	vmul.f32 v43, v43;
	v35 =	vadd.f32 v35, v11  }
0x1fa: {  	s28 =	sadd.s32 $0x200, s28;
	v41 =	vsub.f32 v41, v45;
	v39 =	vsub.f32 v39, v44  }
0x1fb: {  	v27 =	vsub.f32 v27, v38;
	v42 =	vsub.f32 v42, v46;
	[tilespmem:s28+$0x0] =	vst v35  }
0x1fc: {  	v35 =	vadd.f32 $9.999999740e-06, v39;
	v39 =	vadd.f32 $9.999999740e-06, v41  }
0x1fd: {  	v28 =	vsub.f32 v28, v38;
	v38 =	vadd.f32 $9.999999740e-06, v42  }
0x1fe: {  	v41 =	vshra.s32 v35, $0x1;
	v35 =	vmul.f32 $5.000000000e-01, v35;
	v42 =	vshra.s32 v39, $0x1  }
0x1ff: {  	v44 =	vshra.s32 v38, $0x1;
	v38 =	vmul.f32 $5.000000000e-01, v38;
	v39 =	vmul.f32 $5.000000000e-01, v39  }
0x200: {  	v44 =	vsub.s32 $0x5F3759DF, v44;
	v41 =	vsub.s32 $0x5F3759DF, v41;
	v42 =	vsub.s32 $0x5F3759DF, v42  }
0x201: {  	v24 =	vsub.f32 v24, v40;
	v35 =	vmul.f32 v41, v35;
	v39 =	vmul.f32 v42, v39  }
0x202: {  	v25 =	vsub.f32 v25, v40;
	v26 =	vsub.f32 v26, v40;
	v38 =	vmul.f32 v44, v38  }
0x203: {  	v40 =	vsub.f32 v29, v40;
	v35 =	vmul.f32 v41, v35;
	v39 =	vmul.f32 v42, v39  }
0x204: {  	v33 =	vsub.f32 v33, v43;
	v29 =	vmul.f32 v44, v38;
	v38 =	vsub.f32 v30, v43  }
0x205: {  	v30 =	vsub.f32 $1.500000000e+00, v35;
	v35 =	vsub.f32 $1.500000000e+00, v39  }
0x206: {  	v29 =	vsub.f32 $1.500000000e+00, v29;
	v39 =	vsub.f32 v32, v43  }
0x207: {  	v34 =	vsub.f32 v34, v43;
	v30 =	vmul.f32 v41, v30;
	v35 =	vmul.f32 v42, v35  }
0x208: {  	v14 =	vsub.f32 v14, v36;
	v41 =	vmul.f32 v44, v29;
	v42 =	vsub.f32 v15, v36  }
0x209: {  	v15 =	vsub.f32 v16, v36;
	v32 =	vmul.f32 v30, v37;
	v31 =	vmul.f32 v30, v31  }
0x20a: {  	v16 =	vmul.f32 v30, v27;
	v29 =	vmul.f32 v30, v28;
	v27 =	vadd.f32 v22, v11  }
.Ltmp1:
0x20b: {  	v30 =	vmul.f32 v35, v24;
	v22 =	vmul.f32 v35, v25;
	v24 =	vadd.f32 v20, v8;
	(pc) =	sbr.rel @p0 .LBB2_5-.Ltmp1, $4  }
0x20c: {  	v28 =	vmul.f32 v35, v26;
	v20 =	vmul.f32 v35, v40;
	v25 =	vadd.f32 v21, v9;
	[tilespmem:s29+$0xFFFFFF00] =	vst v27  }
0x20d: {  	v21 =	vmul.f32 v41, v33;
	v33 =	vadd.f32 v18, v10;
	v27 =	vmul.f32 v41, v38;
	[tilespmem:s29+$0xFFFFFF50] =	vst v24  }
0x20e: {  	v19 =	vadd.f32 v19, v11;
	v18 =	vmul.f32 v41, v39;
	v24 =	vmul.f32 v41, v34;
	[tilespmem:s29+$0xFFFFFF60] =	vst v25  }
0x20f: {  	v17 =	vadd.f32 v17, v8;
	s31 =	sadd.s32 $0x100, s31;
	v26 =	vmul.f32 v23, v14;
	v25 =	vmul.f32 v23, v42;
	[tilespmem:s29+$0xFFFFFF70] =	vst v33  }
0x210: {  	v14 =	vmul.f32 v32, v4;
	[tilespmem:s29+$0xFFFFFF80] =	vst v19;
	v13 =	vadd.f32 v13, v9  }
0x211: {  	v40 =	vmul.f32 v31, v5;
	v12 =	vadd.f32 v12, v10;
	[tilespmem:s29+$0xFFFFFFD0] =	vst v17  }
0x212: {  	v16 =	vmul.f32 v16, v6;
	v14 =	vadd.f32 v14, v8;
	[tilespmem:s29+$0xFFFFFFE0] =	vst v13  }
0x213: {  	v41 =	vmul.f32 v29, v7;
	v42 =	vadd.f32 v40, v9;
	[tilespmem:s29+$0xFFFFFFF0] =	vst v12  }
0x214: {  	v43 =	vmul.f32 v30, v4;
	v44 =	vadd.f32 v16, v10;
	[tilespmem:s28+$0xFFFFFE50] =	vst v14  }
0x215: {  	v45 =	vmul.f32 v22, v5;
	v13 =	vadd.f32 v41, v11;
	[tilespmem:s28+$0xFFFFFE60] =	vst v42  }
0x216: {  	v46 =	vmul.f32 v28, v6;
	v12 =	vadd.f32 v43, v8;
	[tilespmem:s28+$0xFFFFFE70] =	vst v44  }
0x217: {  	v47 =	vmul.f32 v20, v7;
	v48 =	vadd.f32 v45, v9;
	[tilespmem:s28+$0xFFFFFE80] =	vst v13  }
0x218: {  	v49 =	vmul.f32 v27, v4;
	v50 =	vadd.f32 v46, v10;
	[tilespmem:s28+$0xFFFFFED0] =	vst v12  }
0x219: {  	v51 =	vmul.f32 v21, v5;
	v52 =	vadd.f32 v47, v11;
	[tilespmem:s28+$0xFFFFFEE0] =	vst v48  }
0x21a: {  	v53 =	vmul.f32 v18, v6;
	v54 =	vadd.f32 v49, v8;
	[tilespmem:s28+$0xFFFFFEF0] =	vst v50  }
0x21b: {  	v55 =	vmul.f32 v24, v7;
	v56 =	vadd.f32 v51, v9;
	[tilespmem:s28+$0xFFFFFF00] =	vst v52  }
0x21c: {  	v15 =	vmul.f32 v23, v15;
	v57 =	vmul.f32 v26, v4;
	v58 =	vadd.f32 v53, v10;
	[tilespmem:s28+$0xFFFFFF50] =	vst v54  }
0x21d: {  	s25 =	sadd.s32 $0x1, s25;
	v59 =	vmul.f32 v25, v5;
	v60 =	vadd.f32 v55, v11;
	[tilespmem:s28+$0xFFFFFF60] =	vst v56  }
0x21e: {  	p0 =	sne.s32 s25, $0x32;
	v15 =	vmul.f32 v15, v6;
	v61 =	vadd.f32 v57, v8;
	[tilespmem:s28+$0xFFFFFF70] =	vst v58  }
.Ltmp2:
0x21f: {  	s26 =	sshll.u32 s26, $0xF;
	v62 =	vadd.f32 v59, v9;
	[tilespmem:s28+$0xFFFFFF80] =	vst v60;
	(pc) =	sbr.rel @p0 .LBB2_2-.Ltmp2, $4  }
0x220: {  	s26 =	sadd.s32 s8, s26;
	v63 =	vadd.f32 v15, v10;
	[tilespmem:s28+$0xFFFFFFD0] =	vst v61  }
0x221: {  	s26 =	sshrl.u32 s26, $0x3;
	[tilespmem:s28+$0xFFFFFFE0] =	vst v62  }
0x222: {  	s26 =	sadd.s32 s6, s26;
	[tilespmem:s28+$0xFFFFFFF0] =	vst v63  }
0x223: {  	[hbm4b:s26+s3] =	stream.linear.scatter [tilespmem:s21], [sflag:$0x4], $0x8000, $0x38;
	[tilespmem:$0x1E480] =	vst v63  }
0x224: {  	s24 =	sadd.s32 $0x1, s24  }
0x225: {  	_ =	swait.ge [sflag:s22], $0x8000;
	p0 =	sne.s32 s24, s9  }
.Ltmp3:
0x226: {  	[sflag:s22] =	ssyncset.done $0x0;
	(pc) =	sbr.rel @p0 .LBB2_1-.Ltmp3, $4  }
0x227: {  	[sflag:s22] =	ssyncadd.s32 $0xFFFF8000  }
0x228: {  	_ =	swait.ge [sflag:s23], $0x8000  }
0x229: {  	[sflag:s23] =	ssyncset.done $0x0  }
0x22a: {  	[sflag:s23] =	ssyncadd.s32 $0xFFFF8000  }
0x22b: {  	_ =	sfence.sel $0x180000  }
0x22c: {  	[bflag:$0x0] =	sbarrier.arrive $0xFFFF  }
0x22d: {  	p0 =	sne.s32 s1, $0x0;
	_ =	strace $0x90000047  }
0x22e: {  	s0 =	sadd.s32 @!p0 $0x100000, s4;
	[bflag:$0x2] =	sbarrier.arrive $0xFFFF  }
0x22f: {  	[sflag:s0] =	ssyncadd.tile.s32 @!p0 $0x1;
	_ =	shalt  }
.Lfunc_end2:
_tile_overlayer_lowered:
.L_overlay_start_2:
0x230: {  	(tag) =	ssettag $0x2  }
0x231: {  	s0 =	rddreg [dreg:$0x0];
	s2 =	stileid.u32  }
0x232: {  	s1 =	rddreg [dreg:$0x1];
	p0 =	sne.s32 s2, $0x0  }
0x233: {  	s3 =	rddreg [dreg:$0x2];
	[bflag:$0x3] =	sbarrier.arrive $0xFFFF;
	s2 =	simm.s32 @!p0 $0x1C05  }
0x234: {  	[timem:s3], [sflag:s2] =	dma.local @!p0 [hbm:s0], s1  }
0x235: {  	s0 =	simm.s32 @!p0 $0x5  }
0x236: {  	_ =	swait.ge @!p0 [sflag:s0], s1  }
0x237: {  	s1 =	ssub.s32 @!p0 $0x0, s1;
	[sflag:s0] =	ssyncset.done @!p0 $0x0  }
0x238: {  	[sflag:s0] =	ssyncadd.s32 @!p0 s1  }
0x239: {  	[bflag:$0x3] =	sbarrier.arrive $0xFFFF  }
0x23a: {  	_ =	shalt  }

// kernel: sparse-core-data-format-call.cloned.1.call-start
scs
called_computation_lowered:
.L_overlay_start_0:
0x0: {  	s2 =	sld [smem:$0x3FD9]  }
0x1: {  	s3 =	sld [smem:$0x3FFE];
	_ =	sdelay $0x1  }
0x2: {  	s1 =	srdreg.scid  }
0x3: {  	s0 =	sand.u32 $0x1, s1  }
0x4: {  	s18 =	sshll.u32 s0, $0xA;
	s2 =	sadd.s32 s3, s2  }
0x5: {  	s2 =	sadd.s32 s2, s18  }
0x6: {  	[smem:$0x3FC4] =	sst s2  }
0x7: {  	_ = 	snop  }
0x8: {  	s2 =	sld [smem:$0x3FD0];
	(tm) =	ssettm $0x1  }
0x9: {  	s19 =	sld [smem:$0x3FFB];
	_ =	sdelay $0x3  }
0xa: {  	_ =	strace s19  }
0xb: {  	s3 =	sld [smem:$0x3FFC];
	_ =	sdelay $0x3  }
0xc: {  	_ =	strace s3  }
0xd: {  	s3 =	sld [smem:$0x3FFD];
	_ =	sdelay $0x3  }
0xe: {  	_ =	strace s3  }
0xf: {  	_ =	strace $0x8FFFFFFF  }
0x10: {  	s20 =	sld [smem:$0x3FDB];
	_ =	sdelay $0x1  }
0x11: {  	s4 =	simm.s32 $_scs_section_size  }
0x12: {  	s5 =	simm.s32 $_size__tile_overlayer_lowered;
	s6 =	simm.s32 $_tile_overlayer_lowered  }
0x13: {  	s23 =	simm.s32 $0x1BFF;
	s22 =	sshll.u32 s6, $0x1;
	s3 =	sadd.s32 s4, s20  }
0x14: {  	s7 =	simm.s32 $0x0;
	s21 =	sshll.u32 s5, $0x1;
	s5 =	sadd.s32 s22, s3  }
0x15: {  	[timem:s7], [sflag:s23] =	dma.local [hbm:s5], s21  }
0x16: {  	_ =	swait.ge [sflag:s23], s21  }
0x17: {  	s4 =	ssub.s32 $0x0, s21;
	[sflag:s23] =	ssyncset.done $0x0  }
0x18: {  	[sflag:s23] =	ssyncadd.s32 s4;
	_ =	sdelay $0x1  }
0x19: {  	s24 =	simm.s32 $0x1B8B  }
0x1a: {  	_ =	swait.ge [sflag:s24], $0x1  }
0x1b: {  	[sflag:s24] =	ssyncset.done $0x0  }
0x1c: {  	s26 =	simm.s32 $0x1B8E;
	s25 =	sld [smem:$0x3FFE];
	[sflag:s24] =	ssyncadd.s32 $0xFFFFFFFF  }
0x1d: {  	s27 =	simm.s32 $execute0_lowered;
	[smem:$0x3FD2] =	sst s26  }
0x1e: {  	s5 =	sshll.u32 s27, $0x1;
	_ =	strace $0x80000049;
	[dreg:$0x1] =	wrdreg $0xFFFFFFFF  }
0x1f: {  	s28 =	simm.s32 $_size_execute0_lowered;
	s3 =	sadd.s32 s3, s5;
	[dreg:$0x0] =	wrdreg $0x0  }
0x20: {  	s5 =	sshll.u32 s28, $0x1;
	[dreg:$0x2] =	wrdreg s3  }
0x21: {  	[dreg:$0x3] =	wrdreg s5  }
0x22: {  	[dreg:$0x4] =	wrdreg $0xC0  }
0x23: {  	_ =	task [dreg:s7], $0x5FFFF  }
0x24: {  	[dreg:$0x1] =	wrdreg $0xFFFFFFFF  }
0x25: {  	[dreg:$0x0] =	wrdreg $0x60  }
0x26: {  	[dreg:$0x2] =	wrdreg s25  }
0x27: {  	[dreg:$0x3] =	wrdreg s2  }
0x28: {  	[dreg:$0x4] =	wrdreg $0x9  }
0x29: {  	_ =	task.clear_ibuf [dreg:s7], $0x5FFFF;
	_ =	strace $0x90000049  }
0x2a: {  	s29 =	simm.s32 $0x9;
	_ =	strace $0x8000004B  }
0x2b: {  	_ =	swait.ge [sflag:s29], $0x1  }
0x2c: {  	[sflag:s29] =	ssyncadd.s32 $0xFFFFFFFF  }
0x2d: {  	_ =	strace $0x9000004B  }
0x2e: {  	_ =	sfence  }
0x2f: {  	s30 =	sld [smem:$0x0];
	_ =	sdelay $0x2  }
0x30: {  	s31 =	sshll.u32 s1, $0xD;
	s1 =	sshrl.u32 s1, $0x2  }
0x31: {  	s3 =	sand.u32 $0x4000, s31;
	s1 =	sadd.s32 s1, s30  }
0x32: {  	s0 =	sor.u32 s3, s0;
	s1 =	sshll.u32 s1, $0x11  }
0x33: {  	s0 =	sor.u32 s1, s0  }
0x34: {  	s0 =	sadd.s32 $0x8F2B, s0  }
0x35: {  	[sflag:s0] =	ssyncadd.remote.s32 $0x1  }
0x36: {  	_ =	sfence.sel $0xFFFF  }
0x37: {  	[dreg:$0x0] =	wrdreg $0xFFFFFFFF;
	(pc) =	sbr.abs _section_cstart, $3  }
0x38: {  	[dreg:$0x1] =	wrdreg $0xFFFFFFFF  }
0x39: {  	_ =	task.clear_ibuf [dreg:s7], $0x2FFFF;
	_ =	strace $0x9FFFFFFF  }
0x3a: {  	(tm) =	ssettm $0x7FFFFFFF  }
0x3b: {  	_ =	shalt  }
tec
execute0_lowered:
.L_overlay_start_1:
0x0: {  	(tag) =	ssettag $0x1  }
0x1: {  	s0 =	srdreg.scid  }
0x2: {  	s1 =	sshll.u32 s0, $0x4  }
0x3: {  	s0 =	stileid.u32;
	s1 =	sand.u32 $0x10, s1  }
0x4: {  	s1 =	sor.u32 s0, s1  }
0x5: {  	s6 =	rddreg [dreg:$0x0];
	s4 =	simm.s32 $0x1;
	s2 =	sshll.u32 s1, $0x7  }
0x6: {  	s7 =	simm.s32 $0x2;
	s12 =	simm.s32 $0x0;
	s1 =	ssub.s32 $0x1000, s2  }
0x7: {  	s8 =	simm.s32 $0x8000;
	s13 =	simm.s32 $0x0;
	s3 =	sand.u32 $0xF80, s1  }
0x8: {  	s9 =	simm.s32 $0x0;
	s5 =	sshrl.u32 s1, $0xC;
	p0 =	sne.s32 s3, $0x0  }
.Ltmp0:
0x9: {  	s1 =	rddreg [dreg:$0x2];
	s4 =	simm.s32 @!p0 $0x0;
	(pc) =	sbr.rel .LBB1_1-.Ltmp0, $4  }
0xa: {  	s11 =	simm.s32 $0x0;
	s3 =	rddreg [dreg:$0x1];
	s5 =	sadd.s32 s4, s5  }
0xb: {  	_ =	strace $0x8000004A;
	s4 =	simm.s32 $0x1;
	s5 =	smul.u32 $0xC8, s5  }
0xc: {  	s6 =	sadd.s32 $0xA00, s6;
	s10 =	smov.u32 s2;
	[sflag:s4] =	ssyncpa.u1 $0x0  }
0xd: {  	p0 =	por $0x0, $0x0;
	[sflag:s7] =	ssyncpa.u1 $0x0;
	s7 =	sor.u32 $0x1, s5  }
.LBB1_4:
0xe: {  	s16 =	sshll.u32 s13, $0x3;
	s17 =	sand.u32 $0x78, s13  }
0xf: {  	s30 =	sand.u32 $0x7E00, s13;
	s12 =	sshll.u32 s12, $0xF;
	s16 =	sand.u32 $0xC00, s16  }
0x10: {  	[tilespmem:s15+$0x810 ss:$0x81] =	vst.msk $0xffff, v2;
	s31 =	sand.u32 $0x7, s13;
	s16 =	sor.u32 s17, s16;
	s17 =	sadd.s32 s3, s30  }
0x11: {  	[tilespmem:s15+$0x1020 ss:$0x81] =	vst.msk $0xffff, v0;
	s13 =	sshll.u32 s31, $0x12;
	s12 =	sadd.s32 s12, s17;
	s16 =	sshrl.u32 s16, $0x3  }
0x12: {  	[tilespmem:s15+$0x0 ss:$0x81] =	vst.msk $0xffff, v1;
	s13 =	sor.u32 $0x400, s13;
	s12 =	sadd.s32 s16, s12  }
0x13: {  	[hbm4b:s12+s13] =	stream.strided.scatter [tilespmem:s14], [sflag:$0x2], $0x2000, s8, s13, $0x20;
	[tilespmem:$0x8080] =	vst v63  }
.LBB1_5:
0x14: {  	s14 =	sadd.s32 $0x1, s9  }
0x15: {  	s12 =	sadd.s32 $0x1000, s10;
	s16 =	smov.u32 s10;
	p2 =	sgt.s32 s14, $0xC7  }
0x16: {  	s16 =	smov.u32 @p2 s12  }
0x17: {  	s14 =	simm.s32 @p2 $0x0;
	p2 =	sgt.s32 s16, $0xFFF  }
0x18: {  	s16 =	smov.u32 @p2 s2;
	p2 =	sne.s32 s11, s7  }
.Ltmp1:
0x19: {  	p1 =	slt.u32 s11, $0x2;
	(pc) =	sbr.rel @!p2 .LBB1_6-.Ltmp1, $4  }
0x1a: {  	s15 =	simm.s32 @!p1 $0x2  }
0x1b: {  	s13 =	smov.u32 s10;
	p0 =	por !p0, !p0;
	_ =	swait.ge @!p1 [sflag:s15], $0x2000  }
0x1c: {  	s12 =	smov.u32 s9;
	[sflag:s15] =	ssyncset.done @!p1 $0x0;
	s9 =	smov.u32 s14  }
0x1d: {  	s11 =	sadd.s32 $0x1, s11;
	[sflag:s15] =	ssyncadd.s32 @!p1 $0xFFFFE000;
	s10 =	smov.u32 s16  }
.LBB1_1:
0x1e: {  	p1 =	sge.u32 s11, s5  }
0x1f: {  	s14 =	sand.u32 @!p1 $0x1FFFFFF, s9  }
0x20: {  	s15 =	smulhi.u32 @!p1 $0x147AE15, s14;
	_ =	sdelay $0x1  }
0x21: {  	s15 =	smul.u32 @!p1 $0xC8, s15  }
0x22: {  	s16 =	sxor.u32 @!p1 $0xFFFFFFFF, s11;
	s17 =	smul.u32 @!p1 $0xC80, s10  }
0x23: {  	s31 =	sadd.s32 $0xFFFFFFFF, s11;
	s16 =	sshll.u32 @!p1 s16, $0xD;
	s14 =	ssub.s32 @!p1 s14, s15  }
0x24: {  	s15 =	sand.u32 @!p1 $0x2000, s16;
	s16 =	sadd.s32 @!p1 s6, s17;
	s14 =	sshll.u32 @!p1 s14, $0x4  }
0x25: {  	s17 =	simm.s32 @!p1 $0x6400;
	s14 =	sadd.s32 @!p1 s14, s16;
	s16 =	simm.s32 @!p1 $0x40  }
0x26: {  	[tilespmem:s15], [sflag:$0x1] =	stream.strided.gather @!p1 [hbm4b:s14+s16], $0x2000, s17, s16, $0x38;
	[tilespmem:$0x8080] =	vst v63  }
0x27: {  	p1 =	sge.u32 s31, s5  }
.Ltmp2:
0x28: {  	_ = 	snop;
	(pc) =	sbr.rel @p1 .LBB1_5-.Ltmp2, $1  }
0x29: {  	_ =	sdelay $0x3  }
0x2a: {  	s14 =	simm.s32 $0x1  }
0x2b: {  	_ =	swait.ge [sflag:s4], $0x2000;
	s14 =	simm.s32 @!p0 $0x0  }
0x2c: {  	[sflag:s4] =	ssyncset.done $0x0;
	s15 =	sshll.u32 s14, $0xD  }
0x2d: {  	[sflag:s4] =	ssyncadd.s32 $0xFFFFE000;
	s18 =	sor.u32 $0x20, s15  }
0x2e: {  	s14 =	smul.u32 $0x8100, s14;
	v3 =	vld [tilespmem:s18+$0x10]  }
0x2f: {  	s30 =	sand.u32 $0x1, s11;
	v2 =	vld [tilespmem:s18+$0xFFFFFFF0]  }
0x30: {  	s15 =	smul.u32 $0x8100, s30;
	s14 =	sshrl.u32 s14, $0x2;
	v0 =	vld [tilespmem:s18+$0x0]  }
0x31: {  	v1 =	vld [tilespmem:s18+$0xFFFFFFE0];
	s16 =	sor.u32 $0x4000, s14  }
0x32: {  	s31 =	sshrl.u32 s15, $0x2;
	s15 =	sadd.s32 $0x0, s16  }
0x33: {  	s17 =	simm.s32 $0x4;
	s18 =	sadd.s32 $0x40, s18;
	s14 =	sor.u32 $0x4000, s31;
	[tilespmem:s15+$0x1830 ss:$0x81] =	vst.msk $0xffff, v3  }
.LBB1_3:
0x34: {  	v3 =	vld [tilespmem:s18+$0x10];
	p1 =	sne.s32 s17, $0x1FC;
	[tilespmem:s15+$0x810 ss:$0x81] =	vst.msk $0xffff, v2;
	s19 =	smov.u32 s17;
	s17 =	sadd.s32 $0x4, s17  }
.Ltmp3:
0x35: {  	v2 =	vld [tilespmem:s18+$0xFFFFFFF0];
	[tilespmem:s15+$0x1020 ss:$0x81] =	vst.msk $0xffff, v0;
	(pc) =	sbr.rel @p1 .LBB1_3-.Ltmp3, $4  }
0x36: {  	v0 =	vld [tilespmem:s18+$0x0];
	[tilespmem:s15+$0x0 ss:$0x81] =	vst.msk $0xffff, v1  }
0x37: {  	s15 =	sshra.s32 s19, $0x2;
	v1 =	vld [tilespmem:s18+$0xFFFFFFE0]  }
0x38: {  	s15 =	sadd.s32 s15, s16  }
0x39: {  	s18 =	sadd.s32 $0x40, s18;
	[tilespmem:s15+$0x1830 ss:$0x81] =	vst.msk $0xffff, v3  }
.Ltmp4:
0x3a: {  	_ = 	snop;
	(pc) =	sbr.rel .LBB1_4-.Ltmp4, $1  }
0x3b: {  	_ =	sdelay $0x3  }
.LBB1_6:
0x3c: {  	_ =	sfence.sel $0x180000  }
0x3d: {  	s2 =	simm.s32 $0x1;
	[bflag:$0x0] =	sbarrier.arrive $0xFFFF  }
0x3e: {  	s31 =	simm.s32 $0x2;
	[sflag:s2] =	ssyncpa.u1 $0x1  }
0x3f: {  	[sflag:s31] =	ssyncpa.u1 $0x1  }
0x40: {  	p0 =	sne.s32 s0, $0x0;
	_ =	strace $0x9000004A  }
0x41: {  	s0 =	sadd.s32 @!p0 $0x100000, s1;
	[bflag:$0x2] =	sbarrier.arrive $0xFFFF  }
0x42: {  	[sflag:s0] =	ssyncadd.tile.s32 @!p0 $0x1;
	_ =	shalt  }
.Lfunc_end1:
_tile_overlayer_lowered:
.L_overlay_start_2:
0x43: {  	(tag) =	ssettag $0x2  }
0x44: {  	s0 =	rddreg [dreg:$0x0];
	s2 =	stileid.u32  }
0x45: {  	s1 =	rddreg [dreg:$0x1];
	p0 =	sne.s32 s2, $0x0  }
0x46: {  	s3 =	rddreg [dreg:$0x2];
	[bflag:$0x3] =	sbarrier.arrive $0xFFFF;
	s2 =	simm.s32 @!p0 $0x1C01  }
0x47: {  	[timem:s3], [sflag:s2] =	dma.local @!p0 [hbm:s0], s1  }
0x48: {  	s0 =	simm.s32 @!p0 $0x1  }
0x49: {  	_ =	swait.ge @!p0 [sflag:s0], s1  }
0x4a: {  	s1 =	ssub.s32 @!p0 $0x0, s1;
	[sflag:s0] =	ssyncset.done @!p0 $0x0  }
0x4b: {  	[sflag:s0] =	ssyncadd.s32 @!p0 s1  }
0x4c: {  	[bflag:$0x3] =	sbarrier.arrive $0xFFFF  }
0x4d: {  	_ =	shalt  }

</sc_bundles>
